<compile_context>
chip_gen: v7x
topology: tpu7x:2x2x1
jax: 0.10.2.dev20260603
libtpu: 0.0.44.dev20260713+nightly
codegen_flags: <defaults>
</compile_context>

<pallas_src>
import dataclasses
import functools

import jax
import jax.numpy as jnp
from jax import lax
from jax.experimental import pallas as pl
from jax.experimental.pallas import tpu as pltpu
from jax.experimental.pallas import tpu_sc as plsc

_N = 10000
_D = 128
_E = 320000
_NC = 2
_NS = 16
_NW = _NC * _NS
_CH = 80
_NCH = 125
_NP = 10112
_RPT = _NP // _NS

_mesh = plsc.VectorSubcoreMesh(core_axis_name="c", subcore_axis_name="s")
_NV = 625
_NH = 10240

_cp = pltpu.CompilerParams()
if "needs_layout_passes" in pltpu.CompilerParams.__dataclass_fields__:
    _cp = dataclasses.replace(_cp, needs_layout_passes=False)


@functools.partial(
    pl.kernel,
    out_type=jax.ShapeDtypeStruct((_NW, _NH), jnp.float32),
    mesh=_mesh,
    compiler_params=_cp,
    scratch_types=[
        pltpu.VMEM((_NH,), jnp.float32),
        pltpu.VMEM((_NV, 16), jnp.int32),
    ],
)
def _deg_kernel(dst_hbm, out_hbm, hist, idx_v):
    c = lax.axis_index("c")
    s = lax.axis_index("s")
    wid = s * _NC + c
    pltpu.sync_copy(dst_hbm.at[wid], idx_v)

    @pl.loop(0, _NH, step=16)
    def _(i):
        hist[pl.ds(i, 16)] = jnp.zeros((16,), jnp.float32)

    @pl.loop(0, _NV)
    def _(j):
        v = idx_v[j, :]
        cnt, msk = plsc.scan_count(v)
        plsc.addupdate_scatter(hist, [v], cnt.astype(jnp.float32), mask=msk)

    pltpu.sync_copy(hist, out_hbm.at[wid])


@functools.partial(
    pl.kernel,
    out_type=jax.ShapeDtypeStruct((_NC, _NP, _D), jnp.float32),
    mesh=_mesh,
    scratch_types=[
        pltpu.VMEM_SHARED((_NP, _D), jnp.float32),
        pltpu.VMEM((4, _CH), jnp.int32),
        pltpu.VMEM((4, _CH), jnp.int32),
        pltpu.VMEM((2, _CH, _D), jnp.float32),
        pltpu.SemaphoreType.DMA,
        pltpu.SemaphoreType.DMA((2,)),
        pltpu.SemaphoreType.DMA,
    ],
)
def _msg_kernel(h_hbm, src_hbm, dst_hbm, zeros_hbm, out_hbm,
                acc, src_v, dst_v, rows, isem, gsem, ssem):
    c = lax.axis_index("c")
    s = lax.axis_index("s")
    wid = s * _NC + c
    pltpu.sync_copy(zeros_hbm.at[pl.ds(s * _RPT, _RPT)],
                    acc.at[pl.ds(s * _RPT, _RPT)])
    plsc.subcore_barrier()

    @pl.loop(0, _NCH + 3)
    def _(jn):
        @pl.when(jnp.logical_and(jn >= 3, jn - 3 < _NCH))
        def _():
            j3 = jn - 3
            pltpu.make_async_copy(rows.at[lax.rem(j3, 2)],
                                  acc.at[dst_v.at[lax.rem(j3, 4)]],
                                  ssem).wait()

        @pl.when(jn < _NCH)
        def _():
            sl = lax.rem(jn, 4)
            pltpu.async_copy(src_hbm.at[wid, jn], src_v.at[sl], isem)
            pltpu.async_copy(dst_hbm.at[wid, jn], dst_v.at[sl], isem)

        @pl.when(jnp.logical_and(jn >= 1, jn - 1 < _NCH))
        def _():
            j1 = jn - 1
            sl = lax.rem(j1, 4)
            pltpu.make_async_copy(src_hbm.at[wid, j1], src_v.at[sl],
                                  isem).wait()
            pltpu.make_async_copy(dst_hbm.at[wid, j1], dst_v.at[sl],
                                  isem).wait()
            pltpu.async_copy(h_hbm.at[src_v.at[sl]], rows.at[lax.rem(j1, 2)],
                             gsem.at[lax.rem(j1, 2)])

        @pl.when(jnp.logical_and(jn >= 2, jn - 2 < _NCH))
        def _():
            j2 = jn - 2
            b = lax.rem(j2, 2)
            pltpu.make_async_copy(h_hbm.at[src_v.at[lax.rem(j2, 4)]],
                                  rows.at[b], gsem.at[b]).wait()
            pltpu.async_copy(rows.at[b], acc.at[dst_v.at[lax.rem(j2, 4)]],
                             ssem, add=True)

    plsc.subcore_barrier()
    pltpu.sync_copy(acc.at[pl.ds(s * _RPT, _RPT)],
                    out_hbm.at[c, pl.ds(s * _RPT, _RPT)])


_BN = 1280


def _dinv_block(degp):
    deg = jnp.sum(degp, axis=0)[:, None] + 1.0
    return lax.rsqrt(deg)


def _tc0_body(x_ref, w_ref, out_ref):
    out_ref[...] = jnp.dot(x_ref[...], w_ref[...],
                           preferred_element_type=jnp.float32)


def _tc1_body(degp_ref, h_ref, out_ref):
    dinv = _dinv_block(degp_ref[...])
    out_ref[...] = h_ref[...] * dinv


def _tc2_body(p_ref, h_ref, degp_ref, b_ref, w_ref, out_ref):
    dinv = _dinv_block(degp_ref[...])
    sarg = (p_ref[0] + p_ref[1] + h_ref[...]) * dinv + b_ref[...]
    r = jnp.maximum(sarg, 0.0)
    out_ref[...] = jnp.dot(r, w_ref[...],
                           preferred_element_type=jnp.float32) * dinv


def _tc3_body(p_ref, h_ref, degp_ref, b_ref, out_ref):
    dinv = _dinv_block(degp_ref[...])
    out_ref[...] = (p_ref[0] + p_ref[1] + h_ref[...]) * dinv + b_ref[...]


_degp_spec = pl.BlockSpec((_NW, _BN), lambda i: (0, i))
_row_spec = pl.BlockSpec((_BN, _D), lambda i: (i, 0))
_p_spec = pl.BlockSpec((_NC, _BN, _D), lambda i: (0, i, 0))
_w_spec = pl.BlockSpec((_D, _D), lambda i: (0, 0))
_b_spec = pl.BlockSpec((1, _D), lambda i: (0, 0))
_out_sds = jax.ShapeDtypeStruct((_N, _D), jnp.float32)

_tc0 = pl.pallas_call(
    _tc0_body,
    grid=(-(-_N // _BN),),
    in_specs=[_row_spec, _w_spec],
    out_specs=_row_spec,
    out_shape=_out_sds,
)

_tc1 = pl.pallas_call(
    _tc1_body,
    grid=(-(-_N // _BN),),
    in_specs=[_degp_spec, _row_spec],
    out_specs=_row_spec,
    out_shape=_out_sds,
)

_tc2 = pl.pallas_call(
    _tc2_body,
    grid=(-(-_N // _BN),),
    in_specs=[_p_spec, _row_spec, _degp_spec, _b_spec, _w_spec],
    out_specs=_row_spec,
    out_shape=_out_sds,
)

_tc3 = pl.pallas_call(
    _tc3_body,
    grid=(-(-_N // _BN),),
    in_specs=[_p_spec, _row_spec, _degp_spec, _b_spec],
    out_specs=_row_spec,
    out_shape=_out_sds,
)


def kernel(x, edge_index, W1, b1, W2, b2):
    src = edge_index[0].reshape(_NW, _NCH, _CH)
    dst = edge_index[1].reshape(_NW, _NCH, _CH)
    zerosd = jnp.zeros((_NP, _D), jnp.float32)
    degp = _deg_kernel(edge_index[1].reshape(_NW, _NV, 16))
    h1r = _tc0(x, W1)
    h1 = _tc1(degp, h1r)
    p1 = _msg_kernel(h1, src, dst, zerosd)
    h2 = _tc2(p1, h1, degp, b1.reshape(1, _D), W2)
    p2 = _msg_kernel(h2, src, dst, zerosd)
    return _tc3(p2, h2, degp, b2.reshape(1, _D))

# --- scband reference (transcript-rebuilt; emitter-appended) ---
"""Pipeline reference for scband-gnnencoder-14388140441820 (READ-ONLY COPY).

The authoritative reference and input builder live on the scoring server;
editing this copy changes nothing except your own understanding.
"""

import jax, jax.numpy as jnp
import numpy as np

N = 10000
E = 320000
D_IN = 128
D_HID = 128
D_OUT = 128


def gcn_conv(x, edge_index, W, b):
    """Faithful GCNConv: add self-loops, symmetric deg^{-1/2} normalization,
    linear transform, scatter-add aggregation, bias."""
    n = x.shape[0]
    loop = jnp.arange(n, dtype=edge_index.dtype)
    src = jnp.concatenate([edge_index[0], loop])
    dst = jnp.concatenate([edge_index[1], loop])
    h = x @ W
    deg = jax.ops.segment_sum(jnp.ones_like(dst, dtype=h.dtype), dst, num_segments=n)
    deg_inv_sqrt = jnp.where(deg > 0, 1.0 / jnp.sqrt(deg), 0.0)
    norm = deg_inv_sqrt[src] * deg_inv_sqrt[dst]
    msgs = h[src] * norm[:, None]
    out = jax.ops.segment_sum(msgs, dst, num_segments=n)
    return out + b


def setup_inputs(seed: int = 0) -> dict:
    key = jax.random.key(seed)
    k_x, k_e, k_w1, k_w2 = jax.random.split(key, 4)
    x = jax.random.normal(k_x, (N, D_IN), dtype=jnp.float32)
    edge_index = jax.random.randint(k_e, (2, E), 0, N, dtype=jnp.int32)
    W1 = jax.random.normal(k_w1, (D_IN, D_HID), dtype=jnp.float32) * (1.0 / np.sqrt(D_IN))
    b1 = jnp.zeros((D_HID,), dtype=jnp.float32)
    W2 = jax.random.normal(k_w2, (D_HID, D_OUT), dtype=jnp.float32) * (1.0 / np.sqrt(D_HID))
    b2 = jnp.zeros((D_OUT,), dtype=jnp.float32)
    return {"x": x, "edge_index": edge_index, "W1": W1, "b1": b1, "W2": W2, "b2": b2}


def reference(x, edge_index, W1, b1, W2, b2):
    h = gcn_conv(x, edge_index, W1, b1)
    h = jax.nn.relu(h)
    z = gcn_conv(h, edge_index, W2, b2)
    return z

if __name__ == "__main__":
    import jax
    _d = setup_inputs()
    print(jax.jit(kernel)(*tuple(_d.values())))

</pallas_src>

<mosaic_0001>
#map = affine_map<(d0, d1) -> (0, 0, 0)>
#map1 = affine_map<(d0, d1) -> (0, 0)>
module attributes {stable_mosaic.version = 14 : i64} {
  func.func @_deg_kernel(%arg0: i32, %arg1: i32, %arg2: memref<32x625x16xi32, #tpu.memory_space<hbm>>, %arg3: memref<32x10240xf32, #tpu.memory_space<hbm>>, %arg4: memref<10240xf32, #tpu.memory_space<vmem>>, %arg5: memref<625x16xi32, #tpu.memory_space<vmem>>) attributes {dimension_semantics = [#tpu.dimension_semantics<core_parallel>, #tpu.dimension_semantics<subcore_parallel>], iteration_bounds = array<i64: 2, 16>, scalar_prefetch = 0 : i64, scratch_operands = 2 : i64, tpu.core_type = #tpu.core_type<sc_vector_subcore>, window_params = [{transform_indices = #map}, {transform_indices = #map1}]} {
    %mul3A = arith.constant 2 : i32
    %mul3A_0 = arith.muli %arg1, %mul3A : i32
    %add3A = arith.addi %mul3A_0, %arg0 : i32
    "tpu.region"() ({
      %run_scoped3A = tpu.sem_alloc : memref<!tpu.dma_semaphore, #tpu.memory_space<semaphore_mem>>
      %dma_start3A = arith.constant 0 : i32
      %dma_start3A_10 = arith.constant 0 : i32
      %dma_start3A_11 = tpu.memref_slice %arg2[%add3A, %dma_start3A, %dma_start3A_10] : memref<32x625x16xi32, #tpu.memory_space<hbm>> -> memref<1x625x16xi32, #tpu.memory_space<hbm>>
      %dma_start3A_12 = tpu.memref_squeeze %dma_start3A_11 : memref<1x625x16xi32, #tpu.memory_space<hbm>> -> memref<625x16xi32, #tpu.memory_space<hbm>>
      %dma_start3A_13 = arith.constant 0 : i32
      %dma_start3A_14 = arith.constant 0 : i32
      %dma_start3A_15 = tpu.memref_slice %arg2[%add3A, %dma_start3A_13, %dma_start3A_14] : memref<32x625x16xi32, #tpu.memory_space<hbm>> -> memref<1x625x16xi32, #tpu.memory_space<hbm>>
      %dma_start3A_16 = tpu.memref_squeeze %dma_start3A_15 : memref<1x625x16xi32, #tpu.memory_space<hbm>> -> memref<625x16xi32, #tpu.memory_space<hbm>>
      tpu.enqueue_dma source(%dma_start3A_16 : memref<625x16xi32, #tpu.memory_space<hbm>>) target(%arg5 : memref<625x16xi32, #tpu.memory_space<vmem>>) target_semaphore(%run_scoped3A : memref<!tpu.dma_semaphore, #tpu.memory_space<semaphore_mem>>)
      %dma_wait3A = arith.constant 0 : i32
      %dma_wait3A_17 = arith.constant 0 : i32
      %dma_wait3A_18 = tpu.memref_slice %arg2[%add3A, %dma_wait3A, %dma_wait3A_17] : memref<32x625x16xi32, #tpu.memory_space<hbm>> -> memref<1x625x16xi32, #tpu.memory_space<hbm>>
      %dma_wait3A_19 = tpu.memref_squeeze %dma_wait3A_18 : memref<1x625x16xi32, #tpu.memory_space<hbm>> -> memref<625x16xi32, #tpu.memory_space<hbm>>
      %dma_wait3A_20 = arith.constant 0 : i32
      %dma_wait3A_21 = arith.constant 0 : i32
      %dma_wait3A_22 = tpu.memref_slice %arg2[%add3A, %dma_wait3A_20, %dma_wait3A_21] : memref<32x625x16xi32, #tpu.memory_space<hbm>> -> memref<1x625x16xi32, #tpu.memory_space<hbm>>
      %dma_wait3A_23 = tpu.memref_squeeze %dma_wait3A_22 : memref<1x625x16xi32, #tpu.memory_space<hbm>> -> memref<625x16xi32, #tpu.memory_space<hbm>>
      tpu.wait_dma2 semaphore(%run_scoped3A : memref<!tpu.dma_semaphore, #tpu.memory_space<semaphore_mem>>) src(%dma_wait3A_23 : memref<625x16xi32, #tpu.memory_space<hbm>>) dst(%arg5 : memref<625x16xi32, #tpu.memory_space<vmem>>)
      tpu.yield
    }) : () -> ()
    %scan3A = arith.constant 0 : i32
    %scan3A_1 = arith.constant 640 : i32
    %scan3A_2 = arith.addi %scan3A, %scan3A_1 : i32
    %scan3A_3 = arith.constant 1 : i32
    scf.for %scan3A_10 = %scan3A to %scan3A_2 step %scan3A_3  : i32 {
      %mul3A_11 = arith.constant 16 : i32
      %mul3A_12 = arith.muli %scan3A_10, %mul3A_11 : i32
      %add3A_13 = arith.constant 0 : i32
      %add3A_14 = arith.addi %add3A_13, %mul3A_12 : i32
      %broadcast_in_dim3A = arith.constant 0.000000e+00 : f32
      %broadcast_in_dim3A_15 = vector.broadcast %broadcast_in_dim3A : f32 to vector<16xf32>
      %swap3A = arith.index_cast %add3A_14 : i32 to index
      %swap3A_16 = tpu.vector_load %arg4[%swap3A] {strides = array<i32>} : memref<10240xf32, #tpu.memory_space<vmem>>, vector<16xf32>,
      tpu.vector_store %arg4[%swap3A], %broadcast_in_dim3A_15 {strides = array<i32>} : memref<10240xf32, #tpu.memory_space<vmem>>, vector<16xf32>,
    }
    %scan3A_4 = arith.constant 640 : i32
    %scan3A_5 = arith.constant 0 : i32
    %scan3A_6 = arith.constant 625 : i32
    %scan3A_7 = arith.addi %scan3A_5, %scan3A_6 : i32
    %scan3A_8 = arith.constant 1 : i32
    scf.for %scan3A_10 = %scan3A_5 to %scan3A_7 step %scan3A_8  : i32 {
      %mul3A_11 = arith.constant 1 : i32
      %mul3A_12 = arith.muli %scan3A_10, %mul3A_11 : i32
      %add3A_13 = arith.constant 0 : i32
      %add3A_14 = arith.addi %add3A_13, %mul3A_12 : i32
      %get3A = arith.index_cast %add3A_14 : i32 to index
      %get3A_15 = arith.constant 0 : index
      %get3A_16 = tpu.vector_load %arg5[%get3A, %get3A_15] {strides = array<i32>} : memref<625x16xi32, #tpu.memory_space<vmem>>, vector<16xi32>,
      %broadcast_in_dim3A = arith.constant true
      %broadcast_in_dim3A_17 = vector.broadcast %broadcast_in_dim3A : i1 to vector<16xi1>
      %unique3A, %unique3A_18 = tpu.scan_count mask(%broadcast_in_dim3A_17 : vector<16xi1>) value(%get3A_16 : vector<16xi32>) : vector<16xi1>, vector<16xi32>
      %convert_element_type3A = arith.sitofp %unique3A_18 : vector<16xi32> to vector<16xf32>
      tpu.vector_store_idx %arg4[%get3A_16], %convert_element_type3A masked %unique3A {add = true} : memref<10240xf32, #tpu.memory_space<vmem>>[vector<16xi32>], vector<16xf32>, vector<16xi1>
    }
    %scan3A_9 = arith.constant 625 : i32
    "tpu.region"() ({
      %run_scoped3A = tpu.sem_alloc : memref<!tpu.dma_semaphore, #tpu.memory_space<semaphore_mem>>
      %dma_start3A = arith.constant 0 : i32
      %dma_start3A_10 = tpu.memref_slice %arg3[%add3A, %dma_start3A] : memref<32x10240xf32, #tpu.memory_space<hbm>> -> memref<1x10240xf32, #tpu.memory_space<hbm>>
      %dma_start3A_11 = tpu.memref_squeeze %dma_start3A_10 : memref<1x10240xf32, #tpu.memory_space<hbm>> -> memref<10240xf32, #tpu.memory_space<hbm>>
      %dma_start3A_12 = arith.constant 0 : i32
      %dma_start3A_13 = tpu.memref_slice %arg3[%add3A, %dma_start3A_12] : memref<32x10240xf32, #tpu.memory_space<hbm>> -> memref<1x10240xf32, #tpu.memory_space<hbm>>
      %dma_start3A_14 = tpu.memref_squeeze %dma_start3A_13 : memref<1x10240xf32, #tpu.memory_space<hbm>> -> memref<10240xf32, #tpu.memory_space<hbm>>
      tpu.enqueue_dma source(%arg4 : memref<10240xf32, #tpu.memory_space<vmem>>) target(%dma_start3A_14 : memref<10240xf32, #tpu.memory_space<hbm>>) target_semaphore(%run_scoped3A : memref<!tpu.dma_semaphore, #tpu.memory_space<semaphore_mem>>)
      %dma_wait3A = arith.constant 0 : i32
      %dma_wait3A_15 = tpu.memref_slice %arg3[%add3A, %dma_wait3A] : memref<32x10240xf32, #tpu.memory_space<hbm>> -> memref<1x10240xf32, #tpu.memory_space<hbm>>
      %dma_wait3A_16 = tpu.memref_squeeze %dma_wait3A_15 : memref<1x10240xf32, #tpu.memory_space<hbm>> -> memref<10240xf32, #tpu.memory_space<hbm>>
      %dma_wait3A_17 = arith.constant 0 : i32
      %dma_wait3A_18 = tpu.memref_slice %arg3[%add3A, %dma_wait3A_17] : memref<32x10240xf32, #tpu.memory_space<hbm>> -> memref<1x10240xf32, #tpu.memory_space<hbm>>
      %dma_wait3A_19 = tpu.memref_squeeze %dma_wait3A_18 : memref<1x10240xf32, #tpu.memory_space<hbm>> -> memref<10240xf32, #tpu.memory_space<hbm>>
      tpu.wait_dma2 semaphore(%run_scoped3A : memref<!tpu.dma_semaphore, #tpu.memory_space<semaphore_mem>>) src(%arg4 : memref<10240xf32, #tpu.memory_space<vmem>>) dst(%dma_wait3A_19 : memref<10240xf32, #tpu.memory_space<hbm>>)
      tpu.yield
    }) : () -> ()
    return
  }
}

#map = affine_map<(d0, d1) -> (0, 0)>
#map1 = affine_map<(d0, d1) -> (0, 0, 0)>
module attributes {stable_mosaic.version = 14 : i64} {
  func.func @_msg_kernel(%arg0: i32, %arg1: i32, %arg2: memref<10000x128xf32, #tpu.memory_space<hbm>>, %arg3: memref<32x125x80xi32, #tpu.memory_space<hbm>>, %arg4: memref<32x125x80xi32, #tpu.memory_space<hbm>>, %arg5: memref<10112x128xf32, #tpu.memory_space<hbm>>, %arg6: memref<2x10112x128xf32, #tpu.memory_space<hbm>>, %arg7: memref<10112x128xf32, #tpu.memory_space<vmem_shared>>, %arg8: memref<4x80xi32, #tpu.memory_space<vmem>>, %arg9: memref<4x80xi32, #tpu.memory_space<vmem>>, %arg10: memref<2x80x128xf32, #tpu.memory_space<vmem>>, %arg11: memref<!tpu.dma_semaphore, #tpu.memory_space<semaphore_mem>>, %arg12: memref<2x!tpu.dma_semaphore, #tpu.memory_space<semaphore_mem>>, %arg13: memref<!tpu.dma_semaphore, #tpu.memory_space<semaphore_mem>>) attributes {dimension_semantics = [#tpu.dimension_semantics<core_parallel>, #tpu.dimension_semantics<subcore_parallel>], iteration_bounds = array<i64: 2, 16>, scalar_prefetch = 0 : i64, scratch_operands = 7 : i64, tpu.core_type = #tpu.core_type<sc_vector_subcore>, window_params = [{transform_indices = #map}, {transform_indices = #map1}, {transform_indices = #map1}, {transform_indices = #map}, {transform_indices = #map1}]} {
    %mul3A = arith.constant 2 : i32
    %mul3A_0 = arith.muli %arg1, %mul3A : i32
    %add3A = arith.addi %mul3A_0, %arg0 : i32
    %mul3A_1 = arith.constant 632 : i32
    %mul3A_2 = arith.muli %arg1, %mul3A_1 : i32
    %mul3A_3 = arith.constant 632 : i32
    %mul3A_4 = arith.muli %arg1, %mul3A_3 : i32
    "tpu.region"() ({
      %run_scoped3A = tpu.sem_alloc : memref<!tpu.dma_semaphore, #tpu.memory_space<semaphore_mem>>
      %dma_start3A = arith.constant 0 : i32
      %dma_start3A_14 = tpu.memref_slice %arg7[%mul3A_4, %dma_start3A] : memref<10112x128xf32, #tpu.memory_space<vmem_shared>> -> memref<632x128xf32, #tpu.memory_space<vmem_shared>>
      %dma_start3A_15 = arith.constant 0 : i32
      %dma_start3A_16 = tpu.memref_slice %arg5[%mul3A_2, %dma_start3A_15] : memref<10112x128xf32, #tpu.memory_space<hbm>> -> memref<632x128xf32, #tpu.memory_space<hbm>>
      tpu.enqueue_dma source(%dma_start3A_16 : memref<632x128xf32, #tpu.memory_space<hbm>>) target(%dma_start3A_14 : memref<632x128xf32, #tpu.memory_space<vmem_shared>>) target_semaphore(%run_scoped3A : memref<!tpu.dma_semaphore, #tpu.memory_space<semaphore_mem>>)
      %dma_wait3A = arith.constant 0 : i32
      %dma_wait3A_17 = tpu.memref_slice %arg7[%mul3A_4, %dma_wait3A] : memref<10112x128xf32, #tpu.memory_space<vmem_shared>> -> memref<632x128xf32, #tpu.memory_space<vmem_shared>>
      %dma_wait3A_18 = arith.constant 0 : i32
      %dma_wait3A_19 = tpu.memref_slice %arg5[%mul3A_2, %dma_wait3A_18] : memref<10112x128xf32, #tpu.memory_space<hbm>> -> memref<632x128xf32, #tpu.memory_space<hbm>>
      tpu.wait_dma2 semaphore(%run_scoped3A : memref<!tpu.dma_semaphore, #tpu.memory_space<semaphore_mem>>) src(%dma_wait3A_19 : memref<632x128xf32, #tpu.memory_space<hbm>>) dst(%dma_wait3A_17 : memref<632x128xf32, #tpu.memory_space<vmem_shared>>)
      tpu.yield
    }) : () -> ()
    %barrier3A = arith.constant 0 : index
    tpu.barrier barrier_id(%barrier3A)
    %scan3A = arith.constant 0 : i32
    %scan3A_5 = arith.constant 128 : i32
    %scan3A_6 = arith.addi %scan3A, %scan3A_5 : i32
    %scan3A_7 = arith.constant 1 : i32
    scf.for %scan3A_14 = %scan3A to %scan3A_6 step %scan3A_7  : i32 {
      %mul3A_15 = arith.constant 1 : i32
      %mul3A_16 = arith.muli %scan3A_14, %mul3A_15 : i32
      %add3A_17 = arith.constant 0 : i32
      %add3A_18 = arith.addi %add3A_17, %mul3A_16 : i32
      %ge3A = arith.constant 3 : i32
      %ge3A_19 = arith.cmpi sge, %add3A_18, %ge3A : i32
      %sub3A = arith.constant 3 : i32
      %sub3A_20 = arith.subi %add3A_18, %sub3A : i32
      %lt3A = arith.constant 125 : i32
      %lt3A_21 = arith.cmpi slt, %sub3A_20, %lt3A : i32
      %and3A = arith.andi %ge3A_19, %lt3A_21 : i1
      %convert_element_type3A = arith.extui %and3A : i1 to i32
      %cond3A = arith.constant 0 : i32
      %cond3A_22 = arith.cmpi ne, %convert_element_type3A, %cond3A : i32
      scf.if %cond3A_22 {
        %sub3A_48 = arith.constant 3 : i32
        %sub3A_49 = arith.subi %add3A_18, %sub3A_48 : i32
        %rem3A = arith.constant 2 : i32
        %rem3A_50 = arith.remsi %sub3A_49, %rem3A : i32
        %rem3A_51 = arith.constant 4 : i32
        %rem3A_52 = arith.remsi %sub3A_49, %rem3A_51 : i32
        %dma_wait3A = arith.constant 0 : i32
        %dma_wait3A_53 = arith.constant 0 : i32
        %dma_wait3A_54 = tpu.memref_slice %arg10[%rem3A_50, %dma_wait3A, %dma_wait3A_53] : memref<2x80x128xf32, #tpu.memory_space<vmem>> -> memref<1x80x128xf32, #tpu.memory_space<vmem>>
        %dma_wait3A_55 = tpu.memref_squeeze %dma_wait3A_54 : memref<1x80x128xf32, #tpu.memory_space<vmem>> -> memref<80x128xf32, #tpu.memory_space<vmem>>
        %dma_wait3A_56 = arith.constant 0 : i32
        %dma_wait3A_57 = tpu.memref_slice %arg9[%rem3A_52, %dma_wait3A_56] : memref<4x80xi32, #tpu.memory_space<vmem>> -> memref<1x80xi32, #tpu.memory_space<vmem>>
        %dma_wait3A_58 = tpu.memref_squeeze %dma_wait3A_57 : memref<1x80xi32, #tpu.memory_space<vmem>> -> memref<80xi32, #tpu.memory_space<vmem>>
        %dma_wait3A_59 = arith.constant 0 : i32
        %dma_wait3A_60 = arith.constant 0 : i32
        %dma_wait3A_61 = tpu.memref_slice %arg7[%dma_wait3A_59, %dma_wait3A_60] : memref<10112x128xf32, #tpu.memory_space<vmem_shared>> -> memref<10112x128xf32, #tpu.memory_space<vmem_shared>>
        tpu.wait_indirect_dma semaphore(%arg13 : memref<!tpu.dma_semaphore, #tpu.memory_space<semaphore_mem>>) src(%dma_wait3A_55 : memref<80x128xf32, #tpu.memory_space<vmem>>) dst(%dma_wait3A_61 : memref<10112x128xf32, #tpu.memory_space<vmem_shared>>)
      } else {
      }
      %lt3A_23 = arith.constant 125 : i32
      %lt3A_24 = arith.cmpi slt, %add3A_18, %lt3A_23 : i32
      %convert_element_type3A_25 = arith.extui %lt3A_24 : i1 to i32
      %cond3A_26 = arith.constant 0 : i32
      %cond3A_27 = arith.cmpi ne, %convert_element_type3A_25, %cond3A_26 : i32
      scf.if %cond3A_27 {
        %rem3A = arith.constant 4 : i32
        %rem3A_48 = arith.remsi %add3A_18, %rem3A : i32
        %dma_start3A = arith.constant 0 : i32
        %dma_start3A_49 = tpu.memref_slice %arg8[%rem3A_48, %dma_start3A] : memref<4x80xi32, #tpu.memory_space<vmem>> -> memref<1x80xi32, #tpu.memory_space<vmem>>
        %dma_start3A_50 = tpu.memref_squeeze %dma_start3A_49 : memref<1x80xi32, #tpu.memory_space<vmem>> -> memref<80xi32, #tpu.memory_space<vmem>>
        %dma_start3A_51 = arith.constant 0 : i32
        %dma_start3A_52 = tpu.memref_slice %arg3[%add3A, %add3A_18, %dma_start3A_51] : memref<32x125x80xi32, #tpu.memory_space<hbm>> -> memref<1x1x80xi32, #tpu.memory_space<hbm>>
        %dma_start3A_53 = tpu.memref_squeeze %dma_start3A_52 : memref<1x1x80xi32, #tpu.memory_space<hbm>> -> memref<80xi32, #tpu.memory_space<hbm>>
        %dma_start3A_54 = arith.constant 0 : i32
        %dma_start3A_55 = tpu.memref_slice %arg8[%rem3A_48, %dma_start3A_54] : memref<4x80xi32, #tpu.memory_space<vmem>> -> memref<1x80xi32, #tpu.memory_space<vmem>>
        %dma_start3A_56 = tpu.memref_squeeze %dma_start3A_55 : memref<1x80xi32, #tpu.memory_space<vmem>> -> memref<80xi32, #tpu.memory_space<vmem>>
        %dma_start3A_57 = arith.constant 0 : i32
        %dma_start3A_58 = tpu.memref_slice %arg3[%add3A, %add3A_18, %dma_start3A_57] : memref<32x125x80xi32, #tpu.memory_space<hbm>> -> memref<1x1x80xi32, #tpu.memory_space<hbm>>
        %dma_start3A_59 = tpu.memref_squeeze %dma_start3A_58 : memref<1x1x80xi32, #tpu.memory_space<hbm>> -> memref<80xi32, #tpu.memory_space<hbm>>
        tpu.enqueue_dma source(%dma_start3A_59 : memref<80xi32, #tpu.memory_space<hbm>>) target(%dma_start3A_56 : memref<80xi32, #tpu.memory_space<vmem>>) target_semaphore(%arg11 : memref<!tpu.dma_semaphore, #tpu.memory_space<semaphore_mem>>)
        %dma_start3A_60 = arith.constant 0 : i32
        %dma_start3A_61 = tpu.memref_slice %arg9[%rem3A_48, %dma_start3A_60] : memref<4x80xi32, #tpu.memory_space<vmem>> -> memref<1x80xi32, #tpu.memory_space<vmem>>
        %dma_start3A_62 = tpu.memref_squeeze %dma_start3A_61 : memref<1x80xi32, #tpu.memory_space<vmem>> -> memref<80xi32, #tpu.memory_space<vmem>>
        %dma_start3A_63 = arith.constant 0 : i32
        %dma_start3A_64 = tpu.memref_slice %arg4[%add3A, %add3A_18, %dma_start3A_63] : memref<32x125x80xi32, #tpu.memory_space<hbm>> -> memref<1x1x80xi32, #tpu.memory_space<hbm>>
        %dma_start3A_65 = tpu.memref_squeeze %dma_start3A_64 : memref<1x1x80xi32, #tpu.memory_space<hbm>> -> memref<80xi32, #tpu.memory_space<hbm>>
        %dma_start3A_66 = arith.constant 0 : i32
        %dma_start3A_67 = tpu.memref_slice %arg9[%rem3A_48, %dma_start3A_66] : memref<4x80xi32, #tpu.memory_space<vmem>> -> memref<1x80xi32, #tpu.memory_space<vmem>>
        %dma_start3A_68 = tpu.memref_squeeze %dma_start3A_67 : memref<1x80xi32, #tpu.memory_space<vmem>> -> memref<80xi32, #tpu.memory_space<vmem>>
        %dma_start3A_69 = arith.constant 0 : i32
        %dma_start3A_70 = tpu.memref_slice %arg4[%add3A, %add3A_18, %dma_start3A_69] : memref<32x125x80xi32, #tpu.memory_space<hbm>> -> memref<1x1x80xi32, #tpu.memory_space<hbm>>
        %dma_start3A_71 = tpu.memref_squeeze %dma_start3A_70 : memref<1x1x80xi32, #tpu.memory_space<hbm>> -> memref<80xi32, #tpu.memory_space<hbm>>
        tpu.enqueue_dma source(%dma_start3A_71 : memref<80xi32, #tpu.memory_space<hbm>>) target(%dma_start3A_68 : memref<80xi32, #tpu.memory_space<vmem>>) target_semaphore(%arg11 : memref<!tpu.dma_semaphore, #tpu.memory_space<semaphore_mem>>)
      } else {
      }
      %ge3A_28 = arith.constant 1 : i32
      %ge3A_29 = arith.cmpi sge, %add3A_18, %ge3A_28 : i32
      %sub3A_30 = arith.constant 1 : i32
      %sub3A_31 = arith.subi %add3A_18, %sub3A_30 : i32
      %lt3A_32 = arith.constant 125 : i32
      %lt3A_33 = arith.cmpi slt, %sub3A_31, %lt3A_32 : i32
      %and3A_34 = arith.andi %ge3A_29, %lt3A_33 : i1
      %convert_element_type3A_35 = arith.extui %and3A_34 : i1 to i32
      %cond3A_36 = arith.constant 0 : i32
      %cond3A_37 = arith.cmpi ne, %convert_element_type3A_35, %cond3A_36 : i32
      scf.if %cond3A_37 {
        %sub3A_48 = arith.constant 1 : i32
        %sub3A_49 = arith.subi %add3A_18, %sub3A_48 : i32
        %rem3A = arith.constant 4 : i32
        %rem3A_50 = arith.remsi %sub3A_49, %rem3A : i32
        %dma_wait3A = arith.constant 0 : i32
        %dma_wait3A_51 = tpu.memref_slice %arg8[%rem3A_50, %dma_wait3A] : memref<4x80xi32, #tpu.memory_space<vmem>> -> memref<1x80xi32, #tpu.memory_space<vmem>>
        %dma_wait3A_52 = tpu.memref_squeeze %dma_wait3A_51 : memref<1x80xi32, #tpu.memory_space<vmem>> -> memref<80xi32, #tpu.memory_space<vmem>>
        %dma_wait3A_53 = arith.constant 0 : i32
        %dma_wait3A_54 = tpu.memref_slice %arg3[%add3A, %sub3A_49, %dma_wait3A_53] : memref<32x125x80xi32, #tpu.memory_space<hbm>> -> memref<1x1x80xi32, #tpu.memory_space<hbm>>
        %dma_wait3A_55 = tpu.memref_squeeze %dma_wait3A_54 : memref<1x1x80xi32, #tpu.memory_space<hbm>> -> memref<80xi32, #tpu.memory_space<hbm>>
        %dma_wait3A_56 = arith.constant 0 : i32
        %dma_wait3A_57 = tpu.memref_slice %arg8[%rem3A_50, %dma_wait3A_56] : memref<4x80xi32, #tpu.memory_space<vmem>> -> memref<1x80xi32, #tpu.memory_space<vmem>>
        %dma_wait3A_58 = tpu.memref_squeeze %dma_wait3A_57 : memref<1x80xi32, #tpu.memory_space<vmem>> -> memref<80xi32, #tpu.memory_space<vmem>>
        %dma_wait3A_59 = arith.constant 0 : i32
        %dma_wait3A_60 = tpu.memref_slice %arg3[%add3A, %sub3A_49, %dma_wait3A_59] : memref<32x125x80xi32, #tpu.memory_space<hbm>> -> memref<1x1x80xi32, #tpu.memory_space<hbm>>
        %dma_wait3A_61 = tpu.memref_squeeze %dma_wait3A_60 : memref<1x1x80xi32, #tpu.memory_space<hbm>> -> memref<80xi32, #tpu.memory_space<hbm>>
        tpu.wait_dma2 semaphore(%arg11 : memref<!tpu.dma_semaphore, #tpu.memory_space<semaphore_mem>>) src(%dma_wait3A_61 : memref<80xi32, #tpu.memory_space<hbm>>) dst(%dma_wait3A_58 : memref<80xi32, #tpu.memory_space<vmem>>)
        %dma_wait3A_62 = arith.constant 0 : i32
        %dma_wait3A_63 = tpu.memref_slice %arg9[%rem3A_50, %dma_wait3A_62] : memref<4x80xi32, #tpu.memory_space<vmem>> -> memref<1x80xi32, #tpu.memory_space<vmem>>
        %dma_wait3A_64 = tpu.memref_squeeze %dma_wait3A_63 : memref<1x80xi32, #tpu.memory_space<vmem>> -> memref<80xi32, #tpu.memory_space<vmem>>
        %dma_wait3A_65 = arith.constant 0 : i32
        %dma_wait3A_66 = tpu.memref_slice %arg4[%add3A, %sub3A_49, %dma_wait3A_65] : memref<32x125x80xi32, #tpu.memory_space<hbm>> -> memref<1x1x80xi32, #tpu.memory_space<hbm>>
        %dma_wait3A_67 = tpu.memref_squeeze %dma_wait3A_66 : memref<1x1x80xi32, #tpu.memory_space<hbm>> -> memref<80xi32, #tpu.memory_space<hbm>>
        %dma_wait3A_68 = arith.constant 0 : i32
        %dma_wait3A_69 = tpu.memref_slice %arg9[%rem3A_50, %dma_wait3A_68] : memref<4x80xi32, #tpu.memory_space<vmem>> -> memref<1x80xi32, #tpu.memory_space<vmem>>
        %dma_wait3A_70 = tpu.memref_squeeze %dma_wait3A_69 : memref<1x80xi32, #tpu.memory_space<vmem>> -> memref<80xi32, #tpu.memory_space<vmem>>
        %dma_wait3A_71 = arith.constant 0 : i32
        %dma_wait3A_72 = tpu.memref_slice %arg4[%add3A, %sub3A_49, %dma_wait3A_71] : memref<32x125x80xi32, #tpu.memory_space<hbm>> -> memref<1x1x80xi32, #tpu.memory_space<hbm>>
        %dma_wait3A_73 = tpu.memref_squeeze %dma_wait3A_72 : memref<1x1x80xi32, #tpu.memory_space<hbm>> -> memref<80xi32, #tpu.memory_space<hbm>>
        tpu.wait_dma2 semaphore(%arg11 : memref<!tpu.dma_semaphore, #tpu.memory_space<semaphore_mem>>) src(%dma_wait3A_73 : memref<80xi32, #tpu.memory_space<hbm>>) dst(%dma_wait3A_70 : memref<80xi32, #tpu.memory_space<vmem>>)
        %rem3A_74 = arith.constant 2 : i32
        %rem3A_75 = arith.remsi %sub3A_49, %rem3A_74 : i32
        %rem3A_76 = arith.constant 2 : i32
        %rem3A_77 = arith.remsi %sub3A_49, %rem3A_76 : i32
        %dma_start3A = arith.constant 0 : i32
        %dma_start3A_78 = arith.constant 0 : i32
        %dma_start3A_79 = tpu.memref_slice %arg10[%rem3A_75, %dma_start3A, %dma_start3A_78] : memref<2x80x128xf32, #tpu.memory_space<vmem>> -> memref<1x80x128xf32, #tpu.memory_space<vmem>>
        %dma_start3A_80 = tpu.memref_squeeze %dma_start3A_79 : memref<1x80x128xf32, #tpu.memory_space<vmem>> -> memref<80x128xf32, #tpu.memory_space<vmem>>
        %dma_start3A_81 = arith.constant 0 : i32
        %dma_start3A_82 = tpu.memref_slice %arg8[%rem3A_50, %dma_start3A_81] : memref<4x80xi32, #tpu.memory_space<vmem>> -> memref<1x80xi32, #tpu.memory_space<vmem>>
        %dma_start3A_83 = tpu.memref_squeeze %dma_start3A_82 : memref<1x80xi32, #tpu.memory_space<vmem>> -> memref<80xi32, #tpu.memory_space<vmem>>
        %dma_start3A_84 = arith.constant 0 : i32
        %dma_start3A_85 = arith.constant 0 : i32
        %dma_start3A_86 = tpu.memref_slice %arg2[%dma_start3A_84, %dma_start3A_85] : memref<10000x128xf32, #tpu.memory_space<hbm>> -> memref<10000x128xf32, #tpu.memory_space<hbm>>
        %dma_start3A_87 = tpu.memref_slice %arg12[%rem3A_77] : memref<2x!tpu.dma_semaphore, #tpu.memory_space<semaphore_mem>> -> memref<1x!tpu.dma_semaphore, #tpu.memory_space<semaphore_mem>>
        %dma_start3A_88 = tpu.memref_squeeze %dma_start3A_87 : memref<1x!tpu.dma_semaphore, #tpu.memory_space<semaphore_mem>> -> memref<!tpu.dma_semaphore, #tpu.memory_space<semaphore_mem>>
        tpu.enqueue_indirect_dma source(%dma_start3A_86 : memref<10000x128xf32, #tpu.memory_space<hbm>>) target(%dma_start3A_80 : memref<80x128xf32, #tpu.memory_space<vmem>>) offsets(%dma_start3A_83 : memref<80xi32, #tpu.memory_space<vmem>>) semaphore(%dma_start3A_88 : memref<!tpu.dma_semaphore, #tpu.memory_space<semaphore_mem>>)
      } else {
      }
      %ge3A_38 = arith.constant 2 : i32
      %ge3A_39 = arith.cmpi sge, %add3A_18, %ge3A_38 : i32
      %sub3A_40 = arith.constant 2 : i32
      %sub3A_41 = arith.subi %add3A_18, %sub3A_40 : i32
      %lt3A_42 = arith.constant 125 : i32
      %lt3A_43 = arith.cmpi slt, %sub3A_41, %lt3A_42 : i32
      %and3A_44 = arith.andi %ge3A_39, %lt3A_43 : i1
      %convert_element_type3A_45 = arith.extui %and3A_44 : i1 to i32
      %cond3A_46 = arith.constant 0 : i32
      %cond3A_47 = arith.cmpi ne, %convert_element_type3A_45, %cond3A_46 : i32
      scf.if %cond3A_47 {
        %sub3A_48 = arith.constant 2 : i32
        %sub3A_49 = arith.subi %add3A_18, %sub3A_48 : i32
        %rem3A = arith.constant 2 : i32
        %rem3A_50 = arith.remsi %sub3A_49, %rem3A : i32
        %rem3A_51 = arith.constant 4 : i32
        %rem3A_52 = arith.remsi %sub3A_49, %rem3A_51 : i32
        %dma_wait3A = arith.constant 0 : i32
        %dma_wait3A_53 = arith.constant 0 : i32
        %dma_wait3A_54 = tpu.memref_slice %arg10[%rem3A_50, %dma_wait3A, %dma_wait3A_53] : memref<2x80x128xf32, #tpu.memory_space<vmem>> -> memref<1x80x128xf32, #tpu.memory_space<vmem>>
        %dma_wait3A_55 = tpu.memref_squeeze %dma_wait3A_54 : memref<1x80x128xf32, #tpu.memory_space<vmem>> -> memref<80x128xf32, #tpu.memory_space<vmem>>
        %dma_wait3A_56 = arith.constant 0 : i32
        %dma_wait3A_57 = tpu.memref_slice %arg8[%rem3A_52, %dma_wait3A_56] : memref<4x80xi32, #tpu.memory_space<vmem>> -> memref<1x80xi32, #tpu.memory_space<vmem>>
        %dma_wait3A_58 = tpu.memref_squeeze %dma_wait3A_57 : memref<1x80xi32, #tpu.memory_space<vmem>> -> memref<80xi32, #tpu.memory_space<vmem>>
        %dma_wait3A_59 = arith.constant 0 : i32
        %dma_wait3A_60 = arith.constant 0 : i32
        %dma_wait3A_61 = tpu.memref_slice %arg2[%dma_wait3A_59, %dma_wait3A_60] : memref<10000x128xf32, #tpu.memory_space<hbm>> -> memref<10000x128xf32, #tpu.memory_space<hbm>>
        %dma_wait3A_62 = tpu.memref_slice %arg12[%rem3A_50] : memref<2x!tpu.dma_semaphore, #tpu.memory_space<semaphore_mem>> -> memref<1x!tpu.dma_semaphore, #tpu.memory_space<semaphore_mem>>
        %dma_wait3A_63 = tpu.memref_squeeze %dma_wait3A_62 : memref<1x!tpu.dma_semaphore, #tpu.memory_space<semaphore_mem>> -> memref<!tpu.dma_semaphore, #tpu.memory_space<semaphore_mem>>
        tpu.wait_indirect_dma semaphore(%dma_wait3A_63 : memref<!tpu.dma_semaphore, #tpu.memory_space<semaphore_mem>>) src(%dma_wait3A_61 : memref<10000x128xf32, #tpu.memory_space<hbm>>) dst(%dma_wait3A_55 : memref<80x128xf32, #tpu.memory_space<vmem>>)
        %rem3A_64 = arith.constant 4 : i32
        %rem3A_65 = arith.remsi %sub3A_49, %rem3A_64 : i32
        %dma_start3A = arith.constant 0 : i32
        %dma_start3A_66 = arith.constant 0 : i32
        %dma_start3A_67 = tpu.memref_slice %arg10[%rem3A_50, %dma_start3A, %dma_start3A_66] : memref<2x80x128xf32, #tpu.memory_space<vmem>> -> memref<1x80x128xf32, #tpu.memory_space<vmem>>
        %dma_start3A_68 = tpu.memref_squeeze %dma_start3A_67 : memref<1x80x128xf32, #tpu.memory_space<vmem>> -> memref<80x128xf32, #tpu.memory_space<vmem>>
        %dma_start3A_69 = arith.constant 0 : i32
        %dma_start3A_70 = tpu.memref_slice %arg9[%rem3A_65, %dma_start3A_69] : memref<4x80xi32, #tpu.memory_space<vmem>> -> memref<1x80xi32, #tpu.memory_space<vmem>>
        %dma_start3A_71 = tpu.memref_squeeze %dma_start3A_70 : memref<1x80xi32, #tpu.memory_space<vmem>> -> memref<80xi32, #tpu.memory_space<vmem>>
        %dma_start3A_72 = arith.constant 0 : i32
        %dma_start3A_73 = arith.constant 0 : i32
        %dma_start3A_74 = tpu.memref_slice %arg7[%dma_start3A_72, %dma_start3A_73] : memref<10112x128xf32, #tpu.memory_space<vmem_shared>> -> memref<10112x128xf32, #tpu.memory_space<vmem_shared>>
        tpu.enqueue_indirect_dma source(%dma_start3A_68 : memref<80x128xf32, #tpu.memory_space<vmem>>) target(%dma_start3A_74 : memref<10112x128xf32, #tpu.memory_space<vmem_shared>>) offsets(%dma_start3A_71 : memref<80xi32, #tpu.memory_space<vmem>>) semaphore(%arg13 : memref<!tpu.dma_semaphore, #tpu.memory_space<semaphore_mem>>) {add = true}
      } else {
      }
    }
    %scan3A_8 = arith.constant 128 : i32
    %barrier3A_9 = arith.constant 0 : index
    tpu.barrier barrier_id(%barrier3A_9)
    %mul3A_10 = arith.constant 632 : i32
    %mul3A_11 = arith.muli %arg1, %mul3A_10 : i32
    %mul3A_12 = arith.constant 632 : i32
    %mul3A_13 = arith.muli %arg1, %mul3A_12 : i32
    "tpu.region"() ({
      %run_scoped3A = tpu.sem_alloc : memref<!tpu.dma_semaphore, #tpu.memory_space<semaphore_mem>>
      %dma_start3A = arith.constant 0 : i32
      %dma_start3A_14 = tpu.memref_slice %arg6[%arg0, %mul3A_13, %dma_start3A] : memref<2x10112x128xf32, #tpu.memory_space<hbm>> -> memref<1x632x128xf32, #tpu.memory_space<hbm>>
      %dma_start3A_15 = tpu.memref_squeeze %dma_start3A_14 : memref<1x632x128xf32, #tpu.memory_space<hbm>> -> memref<632x128xf32, #tpu.memory_space<hbm>>
      %dma_start3A_16 = arith.constant 0 : i32
      %dma_start3A_17 = tpu.memref_slice %arg7[%mul3A_11, %dma_start3A_16] : memref<10112x128xf32, #tpu.memory_space<vmem_shared>> -> memref<632x128xf32, #tpu.memory_space<vmem_shared>>
      tpu.enqueue_dma source(%dma_start3A_17 : memref<632x128xf32, #tpu.memory_space<vmem_shared>>) target(%dma_start3A_15 : memref<632x128xf32, #tpu.memory_space<hbm>>) target_semaphore(%run_scoped3A : memref<!tpu.dma_semaphore, #tpu.memory_space<semaphore_mem>>)
      %dma_wait3A = arith.constant 0 : i32
      %dma_wait3A_18 = tpu.memref_slice %arg6[%arg0, %mul3A_13, %dma_wait3A] : memref<2x10112x128xf32, #tpu.memory_space<hbm>> -> memref<1x632x128xf32, #tpu.memory_space<hbm>>
      %dma_wait3A_19 = tpu.memref_squeeze %dma_wait3A_18 : memref<1x632x128xf32, #tpu.memory_space<hbm>> -> memref<632x128xf32, #tpu.memory_space<hbm>>
      %dma_wait3A_20 = arith.constant 0 : i32
      %dma_wait3A_21 = tpu.memref_slice %arg7[%mul3A_11, %dma_wait3A_20] : memref<10112x128xf32, #tpu.memory_space<vmem_shared>> -> memref<632x128xf32, #tpu.memory_space<vmem_shared>>
      tpu.wait_dma2 semaphore(%run_scoped3A : memref<!tpu.dma_semaphore, #tpu.memory_space<semaphore_mem>>) src(%dma_wait3A_21 : memref<632x128xf32, #tpu.memory_space<vmem_shared>>) dst(%dma_wait3A_19 : memref<632x128xf32, #tpu.memory_space<hbm>>)
      tpu.yield
    }) : () -> ()
    return
  }
}

#map = affine_map<(d0, d1) -> (0, 0)>
#map1 = affine_map<(d0, d1) -> (0, 0, 0)>
module attributes {stable_mosaic.version = 14 : i64} {
  func.func @_msg_kernel(%arg0: i32, %arg1: i32, %arg2: memref<10000x128xf32, #tpu.memory_space<hbm>>, %arg3: memref<32x125x80xi32, #tpu.memory_space<hbm>>, %arg4: memref<32x125x80xi32, #tpu.memory_space<hbm>>, %arg5: memref<10112x128xf32, #tpu.memory_space<hbm>>, %arg6: memref<2x10112x128xf32, #tpu.memory_space<hbm>>, %arg7: memref<10112x128xf32, #tpu.memory_space<vmem_shared>>, %arg8: memref<4x80xi32, #tpu.memory_space<vmem>>, %arg9: memref<4x80xi32, #tpu.memory_space<vmem>>, %arg10: memref<2x80x128xf32, #tpu.memory_space<vmem>>, %arg11: memref<!tpu.dma_semaphore, #tpu.memory_space<semaphore_mem>>, %arg12: memref<2x!tpu.dma_semaphore, #tpu.memory_space<semaphore_mem>>, %arg13: memref<!tpu.dma_semaphore, #tpu.memory_space<semaphore_mem>>) attributes {dimension_semantics = [#tpu.dimension_semantics<core_parallel>, #tpu.dimension_semantics<subcore_parallel>], iteration_bounds = array<i64: 2, 16>, scalar_prefetch = 0 : i64, scratch_operands = 7 : i64, tpu.core_type = #tpu.core_type<sc_vector_subcore>, window_params = [{transform_indices = #map}, {transform_indices = #map1}, {transform_indices = #map1}, {transform_indices = #map}, {transform_indices = #map1}]} {
    %mul3A = arith.constant 2 : i32
    %mul3A_0 = arith.muli %arg1, %mul3A : i32
    %add3A = arith.addi %mul3A_0, %arg0 : i32
    %mul3A_1 = arith.constant 632 : i32
    %mul3A_2 = arith.muli %arg1, %mul3A_1 : i32
    %mul3A_3 = arith.constant 632 : i32
    %mul3A_4 = arith.muli %arg1, %mul3A_3 : i32
    "tpu.region"() ({
      %run_scoped3A = tpu.sem_alloc : memref<!tpu.dma_semaphore, #tpu.memory_space<semaphore_mem>>
      %dma_start3A = arith.constant 0 : i32
      %dma_start3A_14 = tpu.memref_slice %arg7[%mul3A_4, %dma_start3A] : memref<10112x128xf32, #tpu.memory_space<vmem_shared>> -> memref<632x128xf32, #tpu.memory_space<vmem_shared>>
      %dma_start3A_15 = arith.constant 0 : i32
      %dma_start3A_16 = tpu.memref_slice %arg5[%mul3A_2, %dma_start3A_15] : memref<10112x128xf32, #tpu.memory_space<hbm>> -> memref<632x128xf32, #tpu.memory_space<hbm>>
      tpu.enqueue_dma source(%dma_start3A_16 : memref<632x128xf32, #tpu.memory_space<hbm>>) target(%dma_start3A_14 : memref<632x128xf32, #tpu.memory_space<vmem_shared>>) target_semaphore(%run_scoped3A : memref<!tpu.dma_semaphore, #tpu.memory_space<semaphore_mem>>)
      %dma_wait3A = arith.constant 0 : i32
      %dma_wait3A_17 = tpu.memref_slice %arg7[%mul3A_4, %dma_wait3A] : memref<10112x128xf32, #tpu.memory_space<vmem_shared>> -> memref<632x128xf32, #tpu.memory_space<vmem_shared>>
      %dma_wait3A_18 = arith.constant 0 : i32
      %dma_wait3A_19 = tpu.memref_slice %arg5[%mul3A_2, %dma_wait3A_18] : memref<10112x128xf32, #tpu.memory_space<hbm>> -> memref<632x128xf32, #tpu.memory_space<hbm>>
      tpu.wait_dma2 semaphore(%run_scoped3A : memref<!tpu.dma_semaphore, #tpu.memory_space<semaphore_mem>>) src(%dma_wait3A_19 : memref<632x128xf32, #tpu.memory_space<hbm>>) dst(%dma_wait3A_17 : memref<632x128xf32, #tpu.memory_space<vmem_shared>>)
      tpu.yield
    }) : () -> ()
    %barrier3A = arith.constant 0 : index
    tpu.barrier barrier_id(%barrier3A)
    %scan3A = arith.constant 0 : i32
    %scan3A_5 = arith.constant 128 : i32
    %scan3A_6 = arith.addi %scan3A, %scan3A_5 : i32
    %scan3A_7 = arith.constant 1 : i32
    scf.for %scan3A_14 = %scan3A to %scan3A_6 step %scan3A_7  : i32 {
      %mul3A_15 = arith.constant 1 : i32
      %mul3A_16 = arith.muli %scan3A_14, %mul3A_15 : i32
      %add3A_17 = arith.constant 0 : i32
      %add3A_18 = arith.addi %add3A_17, %mul3A_16 : i32
      %ge3A = arith.constant 3 : i32
      %ge3A_19 = arith.cmpi sge, %add3A_18, %ge3A : i32
      %sub3A = arith.constant 3 : i32
      %sub3A_20 = arith.subi %add3A_18, %sub3A : i32
      %lt3A = arith.constant 125 : i32
      %lt3A_21 = arith.cmpi slt, %sub3A_20, %lt3A : i32
      %and3A = arith.andi %ge3A_19, %lt3A_21 : i1
      %convert_element_type3A = arith.extui %and3A : i1 to i32
      %cond3A = arith.constant 0 : i32
      %cond3A_22 = arith.cmpi ne, %convert_element_type3A, %cond3A : i32
      scf.if %cond3A_22 {
        %sub3A_48 = arith.constant 3 : i32
        %sub3A_49 = arith.subi %add3A_18, %sub3A_48 : i32
        %rem3A = arith.constant 2 : i32
        %rem3A_50 = arith.remsi %sub3A_49, %rem3A : i32
        %rem3A_51 = arith.constant 4 : i32
        %rem3A_52 = arith.remsi %sub3A_49, %rem3A_51 : i32
        %dma_wait3A = arith.constant 0 : i32
        %dma_wait3A_53 = arith.constant 0 : i32
        %dma_wait3A_54 = tpu.memref_slice %arg10[%rem3A_50, %dma_wait3A, %dma_wait3A_53] : memref<2x80x128xf32, #tpu.memory_space<vmem>> -> memref<1x80x128xf32, #tpu.memory_space<vmem>>
        %dma_wait3A_55 = tpu.memref_squeeze %dma_wait3A_54 : memref<1x80x128xf32, #tpu.memory_space<vmem>> -> memref<80x128xf32, #tpu.memory_space<vmem>>
        %dma_wait3A_56 = arith.constant 0 : i32
        %dma_wait3A_57 = tpu.memref_slice %arg9[%rem3A_52, %dma_wait3A_56] : memref<4x80xi32, #tpu.memory_space<vmem>> -> memref<1x80xi32, #tpu.memory_space<vmem>>
        %dma_wait3A_58 = tpu.memref_squeeze %dma_wait3A_57 : memref<1x80xi32, #tpu.memory_space<vmem>> -> memref<80xi32, #tpu.memory_space<vmem>>
        %dma_wait3A_59 = arith.constant 0 : i32
        %dma_wait3A_60 = arith.constant 0 : i32
        %dma_wait3A_61 = tpu.memref_slice %arg7[%dma_wait3A_59, %dma_wait3A_60] : memref<10112x128xf32, #tpu.memory_space<vmem_shared>> -> memref<10112x128xf32, #tpu.memory_space<vmem_shared>>
        tpu.wait_indirect_dma semaphore(%arg13 : memref<!tpu.dma_semaphore, #tpu.memory_space<semaphore_mem>>) src(%dma_wait3A_55 : memref<80x128xf32, #tpu.memory_space<vmem>>) dst(%dma_wait3A_61 : memref<10112x128xf32, #tpu.memory_space<vmem_shared>>)
      } else {
      }
      %lt3A_23 = arith.constant 125 : i32
      %lt3A_24 = arith.cmpi slt, %add3A_18, %lt3A_23 : i32
      %convert_element_type3A_25 = arith.extui %lt3A_24 : i1 to i32
      %cond3A_26 = arith.constant 0 : i32
      %cond3A_27 = arith.cmpi ne, %convert_element_type3A_25, %cond3A_26 : i32
      scf.if %cond3A_27 {
        %rem3A = arith.constant 4 : i32
        %rem3A_48 = arith.remsi %add3A_18, %rem3A : i32
        %dma_start3A = arith.constant 0 : i32
        %dma_start3A_49 = tpu.memref_slice %arg8[%rem3A_48, %dma_start3A] : memref<4x80xi32, #tpu.memory_space<vmem>> -> memref<1x80xi32, #tpu.memory_space<vmem>>
        %dma_start3A_50 = tpu.memref_squeeze %dma_start3A_49 : memref<1x80xi32, #tpu.memory_space<vmem>> -> memref<80xi32, #tpu.memory_space<vmem>>
        %dma_start3A_51 = arith.constant 0 : i32
        %dma_start3A_52 = tpu.memref_slice %arg3[%add3A, %add3A_18, %dma_start3A_51] : memref<32x125x80xi32, #tpu.memory_space<hbm>> -> memref<1x1x80xi32, #tpu.memory_space<hbm>>
        %dma_start3A_53 = tpu.memref_squeeze %dma_start3A_52 : memref<1x1x80xi32, #tpu.memory_space<hbm>> -> memref<80xi32, #tpu.memory_space<hbm>>
        %dma_start3A_54 = arith.constant 0 : i32
        %dma_start3A_55 = tpu.memref_slice %arg8[%rem3A_48, %dma_start3A_54] : memref<4x80xi32, #tpu.memory_space<vmem>> -> memref<1x80xi32, #tpu.memory_space<vmem>>
        %dma_start3A_56 = tpu.memref_squeeze %dma_start3A_55 : memref<1x80xi32, #tpu.memory_space<vmem>> -> memref<80xi32, #tpu.memory_space<vmem>>
        %dma_start3A_57 = arith.constant 0 : i32
        %dma_start3A_58 = tpu.memref_slice %arg3[%add3A, %add3A_18, %dma_start3A_57] : memref<32x125x80xi32, #tpu.memory_space<hbm>> -> memref<1x1x80xi32, #tpu.memory_space<hbm>>
        %dma_start3A_59 = tpu.memref_squeeze %dma_start3A_58 : memref<1x1x80xi32, #tpu.memory_space<hbm>> -> memref<80xi32, #tpu.memory_space<hbm>>
        tpu.enqueue_dma source(%dma_start3A_59 : memref<80xi32, #tpu.memory_space<hbm>>) target(%dma_start3A_56 : memref<80xi32, #tpu.memory_space<vmem>>) target_semaphore(%arg11 : memref<!tpu.dma_semaphore, #tpu.memory_space<semaphore_mem>>)
        %dma_start3A_60 = arith.constant 0 : i32
        %dma_start3A_61 = tpu.memref_slice %arg9[%rem3A_48, %dma_start3A_60] : memref<4x80xi32, #tpu.memory_space<vmem>> -> memref<1x80xi32, #tpu.memory_space<vmem>>
        %dma_start3A_62 = tpu.memref_squeeze %dma_start3A_61 : memref<1x80xi32, #tpu.memory_space<vmem>> -> memref<80xi32, #tpu.memory_space<vmem>>
        %dma_start3A_63 = arith.constant 0 : i32
        %dma_start3A_64 = tpu.memref_slice %arg4[%add3A, %add3A_18, %dma_start3A_63] : memref<32x125x80xi32, #tpu.memory_space<hbm>> -> memref<1x1x80xi32, #tpu.memory_space<hbm>>
        %dma_start3A_65 = tpu.memref_squeeze %dma_start3A_64 : memref<1x1x80xi32, #tpu.memory_space<hbm>> -> memref<80xi32, #tpu.memory_space<hbm>>
        %dma_start3A_66 = arith.constant 0 : i32
        %dma_start3A_67 = tpu.memref_slice %arg9[%rem3A_48, %dma_start3A_66] : memref<4x80xi32, #tpu.memory_space<vmem>> -> memref<1x80xi32, #tpu.memory_space<vmem>>
        %dma_start3A_68 = tpu.memref_squeeze %dma_start3A_67 : memref<1x80xi32, #tpu.memory_space<vmem>> -> memref<80xi32, #tpu.memory_space<vmem>>
        %dma_start3A_69 = arith.constant 0 : i32
        %dma_start3A_70 = tpu.memref_slice %arg4[%add3A, %add3A_18, %dma_start3A_69] : memref<32x125x80xi32, #tpu.memory_space<hbm>> -> memref<1x1x80xi32, #tpu.memory_space<hbm>>
        %dma_start3A_71 = tpu.memref_squeeze %dma_start3A_70 : memref<1x1x80xi32, #tpu.memory_space<hbm>> -> memref<80xi32, #tpu.memory_space<hbm>>
        tpu.enqueue_dma source(%dma_start3A_71 : memref<80xi32, #tpu.memory_space<hbm>>) target(%dma_start3A_68 : memref<80xi32, #tpu.memory_space<vmem>>) target_semaphore(%arg11 : memref<!tpu.dma_semaphore, #tpu.memory_space<semaphore_mem>>)
      } else {
      }
      %ge3A_28 = arith.constant 1 : i32
      %ge3A_29 = arith.cmpi sge, %add3A_18, %ge3A_28 : i32
      %sub3A_30 = arith.constant 1 : i32
      %sub3A_31 = arith.subi %add3A_18, %sub3A_30 : i32
      %lt3A_32 = arith.constant 125 : i32
      %lt3A_33 = arith.cmpi slt, %sub3A_31, %lt3A_32 : i32
      %and3A_34 = arith.andi %ge3A_29, %lt3A_33 : i1
      %convert_element_type3A_35 = arith.extui %and3A_34 : i1 to i32
      %cond3A_36 = arith.constant 0 : i32
      %cond3A_37 = arith.cmpi ne, %convert_element_type3A_35, %cond3A_36 : i32
      scf.if %cond3A_37 {
        %sub3A_48 = arith.constant 1 : i32
        %sub3A_49 = arith.subi %add3A_18, %sub3A_48 : i32
        %rem3A = arith.constant 4 : i32
        %rem3A_50 = arith.remsi %sub3A_49, %rem3A : i32
        %dma_wait3A = arith.constant 0 : i32
        %dma_wait3A_51 = tpu.memref_slice %arg8[%rem3A_50, %dma_wait3A] : memref<4x80xi32, #tpu.memory_space<vmem>> -> memref<1x80xi32, #tpu.memory_space<vmem>>
        %dma_wait3A_52 = tpu.memref_squeeze %dma_wait3A_51 : memref<1x80xi32, #tpu.memory_space<vmem>> -> memref<80xi32, #tpu.memory_space<vmem>>
        %dma_wait3A_53 = arith.constant 0 : i32
        %dma_wait3A_54 = tpu.memref_slice %arg3[%add3A, %sub3A_49, %dma_wait3A_53] : memref<32x125x80xi32, #tpu.memory_space<hbm>> -> memref<1x1x80xi32, #tpu.memory_space<hbm>>
        %dma_wait3A_55 = tpu.memref_squeeze %dma_wait3A_54 : memref<1x1x80xi32, #tpu.memory_space<hbm>> -> memref<80xi32, #tpu.memory_space<hbm>>
        %dma_wait3A_56 = arith.constant 0 : i32
        %dma_wait3A_57 = tpu.memref_slice %arg8[%rem3A_50, %dma_wait3A_56] : memref<4x80xi32, #tpu.memory_space<vmem>> -> memref<1x80xi32, #tpu.memory_space<vmem>>
        %dma_wait3A_58 = tpu.memref_squeeze %dma_wait3A_57 : memref<1x80xi32, #tpu.memory_space<vmem>> -> memref<80xi32, #tpu.memory_space<vmem>>
        %dma_wait3A_59 = arith.constant 0 : i32
        %dma_wait3A_60 = tpu.memref_slice %arg3[%add3A, %sub3A_49, %dma_wait3A_59] : memref<32x125x80xi32, #tpu.memory_space<hbm>> -> memref<1x1x80xi32, #tpu.memory_space<hbm>>
        %dma_wait3A_61 = tpu.memref_squeeze %dma_wait3A_60 : memref<1x1x80xi32, #tpu.memory_space<hbm>> -> memref<80xi32, #tpu.memory_space<hbm>>
        tpu.wait_dma2 semaphore(%arg11 : memref<!tpu.dma_semaphore, #tpu.memory_space<semaphore_mem>>) src(%dma_wait3A_61 : memref<80xi32, #tpu.memory_space<hbm>>) dst(%dma_wait3A_58 : memref<80xi32, #tpu.memory_space<vmem>>)
        %dma_wait3A_62 = arith.constant 0 : i32
        %dma_wait3A_63 = tpu.memref_slice %arg9[%rem3A_50, %dma_wait3A_62] : memref<4x80xi32, #tpu.memory_space<vmem>> -> memref<1x80xi32, #tpu.memory_space<vmem>>
        %dma_wait3A_64 = tpu.memref_squeeze %dma_wait3A_63 : memref<1x80xi32, #tpu.memory_space<vmem>> -> memref<80xi32, #tpu.memory_space<vmem>>
        %dma_wait3A_65 = arith.constant 0 : i32
        %dma_wait3A_66 = tpu.memref_slice %arg4[%add3A, %sub3A_49, %dma_wait3A_65] : memref<32x125x80xi32, #tpu.memory_space<hbm>> -> memref<1x1x80xi32, #tpu.memory_space<hbm>>
        %dma_wait3A_67 = tpu.memref_squeeze %dma_wait3A_66 : memref<1x1x80xi32, #tpu.memory_space<hbm>> -> memref<80xi32, #tpu.memory_space<hbm>>
        %dma_wait3A_68 = arith.constant 0 : i32
        %dma_wait3A_69 = tpu.memref_slice %arg9[%rem3A_50, %dma_wait3A_68] : memref<4x80xi32, #tpu.memory_space<vmem>> -> memref<1x80xi32, #tpu.memory_space<vmem>>
        %dma_wait3A_70 = tpu.memref_squeeze %dma_wait3A_69 : memref<1x80xi32, #tpu.memory_space<vmem>> -> memref<80xi32, #tpu.memory_space<vmem>>
        %dma_wait3A_71 = arith.constant 0 : i32
        %dma_wait3A_72 = tpu.memref_slice %arg4[%add3A, %sub3A_49, %dma_wait3A_71] : memref<32x125x80xi32, #tpu.memory_space<hbm>> -> memref<1x1x80xi32, #tpu.memory_space<hbm>>
        %dma_wait3A_73 = tpu.memref_squeeze %dma_wait3A_72 : memref<1x1x80xi32, #tpu.memory_space<hbm>> -> memref<80xi32, #tpu.memory_space<hbm>>
        tpu.wait_dma2 semaphore(%arg11 : memref<!tpu.dma_semaphore, #tpu.memory_space<semaphore_mem>>) src(%dma_wait3A_73 : memref<80xi32, #tpu.memory_space<hbm>>) dst(%dma_wait3A_70 : memref<80xi32, #tpu.memory_space<vmem>>)
        %rem3A_74 = arith.constant 2 : i32
        %rem3A_75 = arith.remsi %sub3A_49, %rem3A_74 : i32
        %rem3A_76 = arith.constant 2 : i32
        %rem3A_77 = arith.remsi %sub3A_49, %rem3A_76 : i32
        %dma_start3A = arith.constant 0 : i32
        %dma_start3A_78 = arith.constant 0 : i32
        %dma_start3A_79 = tpu.memref_slice %arg10[%rem3A_75, %dma_start3A, %dma_start3A_78] : memref<2x80x128xf32, #tpu.memory_space<vmem>> -> memref<1x80x128xf32, #tpu.memory_space<vmem>>
        %dma_start3A_80 = tpu.memref_squeeze %dma_start3A_79 : memref<1x80x128xf32, #tpu.memory_space<vmem>> -> memref<80x128xf32, #tpu.memory_space<vmem>>
        %dma_start3A_81 = arith.constant 0 : i32
        %dma_start3A_82 = tpu.memref_slice %arg8[%rem3A_50, %dma_start3A_81] : memref<4x80xi32, #tpu.memory_space<vmem>> -> memref<1x80xi32, #tpu.memory_space<vmem>>
        %dma_start3A_83 = tpu.memref_squeeze %dma_start3A_82 : memref<1x80xi32, #tpu.memory_space<vmem>> -> memref<80xi32, #tpu.memory_space<vmem>>
        %dma_start3A_84 = arith.constant 0 : i32
        %dma_start3A_85 = arith.constant 0 : i32
        %dma_start3A_86 = tpu.memref_slice %arg2[%dma_start3A_84, %dma_start3A_85] : memref<10000x128xf32, #tpu.memory_space<hbm>> -> memref<10000x128xf32, #tpu.memory_space<hbm>>
        %dma_start3A_87 = tpu.memref_slice %arg12[%rem3A_77] : memref<2x!tpu.dma_semaphore, #tpu.memory_space<semaphore_mem>> -> memref<1x!tpu.dma_semaphore, #tpu.memory_space<semaphore_mem>>
        %dma_start3A_88 = tpu.memref_squeeze %dma_start3A_87 : memref<1x!tpu.dma_semaphore, #tpu.memory_space<semaphore_mem>> -> memref<!tpu.dma_semaphore, #tpu.memory_space<semaphore_mem>>
        tpu.enqueue_indirect_dma source(%dma_start3A_86 : memref<10000x128xf32, #tpu.memory_space<hbm>>) target(%dma_start3A_80 : memref<80x128xf32, #tpu.memory_space<vmem>>) offsets(%dma_start3A_83 : memref<80xi32, #tpu.memory_space<vmem>>) semaphore(%dma_start3A_88 : memref<!tpu.dma_semaphore, #tpu.memory_space<semaphore_mem>>)
      } else {
      }
      %ge3A_38 = arith.constant 2 : i32
      %ge3A_39 = arith.cmpi sge, %add3A_18, %ge3A_38 : i32
      %sub3A_40 = arith.constant 2 : i32
      %sub3A_41 = arith.subi %add3A_18, %sub3A_40 : i32
      %lt3A_42 = arith.constant 125 : i32
      %lt3A_43 = arith.cmpi slt, %sub3A_41, %lt3A_42 : i32
      %and3A_44 = arith.andi %ge3A_39, %lt3A_43 : i1
      %convert_element_type3A_45 = arith.extui %and3A_44 : i1 to i32
      %cond3A_46 = arith.constant 0 : i32
      %cond3A_47 = arith.cmpi ne, %convert_element_type3A_45, %cond3A_46 : i32
      scf.if %cond3A_47 {
        %sub3A_48 = arith.constant 2 : i32
        %sub3A_49 = arith.subi %add3A_18, %sub3A_48 : i32
        %rem3A = arith.constant 2 : i32
        %rem3A_50 = arith.remsi %sub3A_49, %rem3A : i32
        %rem3A_51 = arith.constant 4 : i32
        %rem3A_52 = arith.remsi %sub3A_49, %rem3A_51 : i32
        %dma_wait3A = arith.constant 0 : i32
        %dma_wait3A_53 = arith.constant 0 : i32
        %dma_wait3A_54 = tpu.memref_slice %arg10[%rem3A_50, %dma_wait3A, %dma_wait3A_53] : memref<2x80x128xf32, #tpu.memory_space<vmem>> -> memref<1x80x128xf32, #tpu.memory_space<vmem>>
        %dma_wait3A_55 = tpu.memref_squeeze %dma_wait3A_54 : memref<1x80x128xf32, #tpu.memory_space<vmem>> -> memref<80x128xf32, #tpu.memory_space<vmem>>
        %dma_wait3A_56 = arith.constant 0 : i32
        %dma_wait3A_57 = tpu.memref_slice %arg8[%rem3A_52, %dma_wait3A_56] : memref<4x80xi32, #tpu.memory_space<vmem>> -> memref<1x80xi32, #tpu.memory_space<vmem>>
        %dma_wait3A_58 = tpu.memref_squeeze %dma_wait3A_57 : memref<1x80xi32, #tpu.memory_space<vmem>> -> memref<80xi32, #tpu.memory_space<vmem>>
        %dma_wait3A_59 = arith.constant 0 : i32
        %dma_wait3A_60 = arith.constant 0 : i32
        %dma_wait3A_61 = tpu.memref_slice %arg2[%dma_wait3A_59, %dma_wait3A_60] : memref<10000x128xf32, #tpu.memory_space<hbm>> -> memref<10000x128xf32, #tpu.memory_space<hbm>>
        %dma_wait3A_62 = tpu.memref_slice %arg12[%rem3A_50] : memref<2x!tpu.dma_semaphore, #tpu.memory_space<semaphore_mem>> -> memref<1x!tpu.dma_semaphore, #tpu.memory_space<semaphore_mem>>
        %dma_wait3A_63 = tpu.memref_squeeze %dma_wait3A_62 : memref<1x!tpu.dma_semaphore, #tpu.memory_space<semaphore_mem>> -> memref<!tpu.dma_semaphore, #tpu.memory_space<semaphore_mem>>
        tpu.wait_indirect_dma semaphore(%dma_wait3A_63 : memref<!tpu.dma_semaphore, #tpu.memory_space<semaphore_mem>>) src(%dma_wait3A_61 : memref<10000x128xf32, #tpu.memory_space<hbm>>) dst(%dma_wait3A_55 : memref<80x128xf32, #tpu.memory_space<vmem>>)
        %rem3A_64 = arith.constant 4 : i32
        %rem3A_65 = arith.remsi %sub3A_49, %rem3A_64 : i32
        %dma_start3A = arith.constant 0 : i32
        %dma_start3A_66 = arith.constant 0 : i32
        %dma_start3A_67 = tpu.memref_slice %arg10[%rem3A_50, %dma_start3A, %dma_start3A_66] : memref<2x80x128xf32, #tpu.memory_space<vmem>> -> memref<1x80x128xf32, #tpu.memory_space<vmem>>
        %dma_start3A_68 = tpu.memref_squeeze %dma_start3A_67 : memref<1x80x128xf32, #tpu.memory_space<vmem>> -> memref<80x128xf32, #tpu.memory_space<vmem>>
        %dma_start3A_69 = arith.constant 0 : i32
        %dma_start3A_70 = tpu.memref_slice %arg9[%rem3A_65, %dma_start3A_69] : memref<4x80xi32, #tpu.memory_space<vmem>> -> memref<1x80xi32, #tpu.memory_space<vmem>>
        %dma_start3A_71 = tpu.memref_squeeze %dma_start3A_70 : memref<1x80xi32, #tpu.memory_space<vmem>> -> memref<80xi32, #tpu.memory_space<vmem>>
        %dma_start3A_72 = arith.constant 0 : i32
        %dma_start3A_73 = arith.constant 0 : i32
        %dma_start3A_74 = tpu.memref_slice %arg7[%dma_start3A_72, %dma_start3A_73] : memref<10112x128xf32, #tpu.memory_space<vmem_shared>> -> memref<10112x128xf32, #tpu.memory_space<vmem_shared>>
        tpu.enqueue_indirect_dma source(%dma_start3A_68 : memref<80x128xf32, #tpu.memory_space<vmem>>) target(%dma_start3A_74 : memref<10112x128xf32, #tpu.memory_space<vmem_shared>>) offsets(%dma_start3A_71 : memref<80xi32, #tpu.memory_space<vmem>>) semaphore(%arg13 : memref<!tpu.dma_semaphore, #tpu.memory_space<semaphore_mem>>) {add = true}
      } else {
      }
    }
    %scan3A_8 = arith.constant 128 : i32
    %barrier3A_9 = arith.constant 0 : index
    tpu.barrier barrier_id(%barrier3A_9)
    %mul3A_10 = arith.constant 632 : i32
    %mul3A_11 = arith.muli %arg1, %mul3A_10 : i32
    %mul3A_12 = arith.constant 632 : i32
    %mul3A_13 = arith.muli %arg1, %mul3A_12 : i32
    "tpu.region"() ({
      %run_scoped3A = tpu.sem_alloc : memref<!tpu.dma_semaphore, #tpu.memory_space<semaphore_mem>>
      %dma_start3A = arith.constant 0 : i32
      %dma_start3A_14 = tpu.memref_slice %arg6[%arg0, %mul3A_13, %dma_start3A] : memref<2x10112x128xf32, #tpu.memory_space<hbm>> -> memref<1x632x128xf32, #tpu.memory_space<hbm>>
      %dma_start3A_15 = tpu.memref_squeeze %dma_start3A_14 : memref<1x632x128xf32, #tpu.memory_space<hbm>> -> memref<632x128xf32, #tpu.memory_space<hbm>>
      %dma_start3A_16 = arith.constant 0 : i32
      %dma_start3A_17 = tpu.memref_slice %arg7[%mul3A_11, %dma_start3A_16] : memref<10112x128xf32, #tpu.memory_space<vmem_shared>> -> memref<632x128xf32, #tpu.memory_space<vmem_shared>>
      tpu.enqueue_dma source(%dma_start3A_17 : memref<632x128xf32, #tpu.memory_space<vmem_shared>>) target(%dma_start3A_15 : memref<632x128xf32, #tpu.memory_space<hbm>>) target_semaphore(%run_scoped3A : memref<!tpu.dma_semaphore, #tpu.memory_space<semaphore_mem>>)
      %dma_wait3A = arith.constant 0 : i32
      %dma_wait3A_18 = tpu.memref_slice %arg6[%arg0, %mul3A_13, %dma_wait3A] : memref<2x10112x128xf32, #tpu.memory_space<hbm>> -> memref<1x632x128xf32, #tpu.memory_space<hbm>>
      %dma_wait3A_19 = tpu.memref_squeeze %dma_wait3A_18 : memref<1x632x128xf32, #tpu.memory_space<hbm>> -> memref<632x128xf32, #tpu.memory_space<hbm>>
      %dma_wait3A_20 = arith.constant 0 : i32
      %dma_wait3A_21 = tpu.memref_slice %arg7[%mul3A_11, %dma_wait3A_20] : memref<10112x128xf32, #tpu.memory_space<vmem_shared>> -> memref<632x128xf32, #tpu.memory_space<vmem_shared>>
      tpu.wait_dma2 semaphore(%run_scoped3A : memref<!tpu.dma_semaphore, #tpu.memory_space<semaphore_mem>>) src(%dma_wait3A_21 : memref<632x128xf32, #tpu.memory_space<vmem_shared>>) dst(%dma_wait3A_19 : memref<632x128xf32, #tpu.memory_space<hbm>>)
      tpu.yield
    }) : () -> ()
    return
  }
}

module attributes {stable_mosaic.version = 14 : i64} {
  func.func @_tc0_body(%arg0: i32, %arg1: memref<1280x128xf32, #tpu.memory_space<vmem>>, %arg2: memref<128x128xf32, #tpu.memory_space<vmem>>, %arg3: memref<1280x128xf32, #tpu.memory_space<vmem>>) attributes {dimension_semantics = [#tpu.dimension_semantics<arbitrary>], iteration_bounds = array<i64: 8>, scalar_prefetch = 0 : i64, scratch_operands = 0 : i64, tpu.core_type = #tpu.core_type<tc>, window_params = [{transform_indices = @transform_0, window_bounds = array<i64: 1280, 128>}, {pipeline_mode = #tpu.pipeline_mode<synchronous>, transform_indices = @transform_1, window_bounds = array<i64: 128, 128>}, {transform_indices = @transform_2, window_bounds = array<i64: 1280, 128>}]} {
    %get3A = arith.constant 0 : index
    %get3A_0 = arith.constant 0 : index
    %get3A_1 = vector.load %arg1[%get3A, %get3A_0] : memref<1280x128xf32, #tpu.memory_space<vmem>>, vector<1280x128xf32>
    %get3A_2 = arith.constant 0 : index
    %get3A_3 = arith.constant 0 : index
    %get3A_4 = vector.load %arg2[%get3A_2, %get3A_3] : memref<128x128xf32, #tpu.memory_space<vmem>>, vector<128x128xf32>
    %dot_general3A = arith.constant dense<0.000000e+00> : vector<1280x128xf32>
    %dot_general3A_5 = tpu.matmul %get3A_1, %get3A_4, %dot_general3A {dimension_numbers = #tpu.dot_dimension_numbers<[1], [0], [0], [1], [0, 0, 1, 1], [], []>, transpose_lhs_hint = false} : vector<1280x128xf32>, vector<128x128xf32>, vector<1280x128xf32> -> vector<1280x128xf32>
    %swap3A = arith.constant 0 : index
    %swap3A_6 = arith.constant 0 : index
    %swap3A_7 = vector.load %arg3[%swap3A, %swap3A_6] : memref<1280x128xf32, #tpu.memory_space<vmem>>, vector<1280x128xf32>
    tpu.vector_store %arg3[%swap3A, %swap3A_6], %dot_general3A_5 {strides = array<i32>} : memref<1280x128xf32, #tpu.memory_space<vmem>>, vector<1280x128xf32>,
    return
  }
  func.func @transform_0(%arg0: i32) -> (i32, i32) {
    %c0_i32 = arith.constant 0 : i32
    %c0_i32_0 = arith.constant 0 : i32
    return %arg0, %c0_i32 : i32, i32
  }
  func.func @transform_1(%arg0: i32) -> (i32, i32) {
    %c0_i32 = arith.constant 0 : i32
    %c0_i32_0 = arith.constant 0 : i32
    %c0_i32_1 = arith.constant 0 : i32
    return %c0_i32, %c0_i32_0 : i32, i32
  }
  func.func @transform_2(%arg0: i32) -> (i32, i32) {
    %c0_i32 = arith.constant 0 : i32
    %c0_i32_0 = arith.constant 0 : i32
    return %arg0, %c0_i32 : i32, i32
  }
}

module attributes {stable_mosaic.version = 14 : i64} {
  func.func @_tc1_body(%arg0: i32, %arg1: memref<32x1280xf32, #tpu.memory_space<vmem>>, %arg2: memref<1280x128xf32, #tpu.memory_space<vmem>>, %arg3: memref<1280x128xf32, #tpu.memory_space<vmem>>) attributes {dimension_semantics = [#tpu.dimension_semantics<arbitrary>], iteration_bounds = array<i64: 8>, scalar_prefetch = 0 : i64, scratch_operands = 0 : i64, tpu.core_type = #tpu.core_type<tc>, window_params = [{transform_indices = @transform_0, window_bounds = array<i64: 32, 1280>}, {transform_indices = @transform_1, window_bounds = array<i64: 1280, 128>}, {transform_indices = @transform_2, window_bounds = array<i64: 1280, 128>}]} {
    %get3A = arith.constant 0 : index
    %get3A_0 = arith.constant 0 : index
    %get3A_1 = vector.load %arg1[%get3A, %get3A_0] : memref<32x1280xf32, #tpu.memory_space<vmem>>, vector<32x1280xf32>
    %reduce_sum3A = arith.constant dense<0.000000e+00> : vector<1280xf32>
    %reduce_sum3A_2 = vector.multi_reduction <add>, %get3A_1, %reduce_sum3A [0] : vector<32x1280xf32> to vector<1280xf32>
    %broadcast_in_dim3A = vector.shape_cast %reduce_sum3A_2 : vector<1280xf32> to vector<1280x1xf32>
    %add3A = arith.constant 1.000000e+00 : f32
    %add3A_3 = vector.broadcast %add3A : f32 to vector<1280x1xf32>
    %add3A_4 = arith.addf %broadcast_in_dim3A, %add3A_3 : vector<1280x1xf32>
    %rsqrt3A = math.rsqrt %add3A_4 : vector<1280x1xf32>
    %get3A_5 = arith.constant 0 : index
    %get3A_6 = arith.constant 0 : index
    %get3A_7 = vector.load %arg2[%get3A_5, %get3A_6] : memref<1280x128xf32, #tpu.memory_space<vmem>>, vector<1280x128xf32>
    %mul3A = vector.broadcast %rsqrt3A : vector<1280x1xf32> to vector<1280x128xf32>
    %mul3A_8 = arith.mulf %get3A_7, %mul3A : vector<1280x128xf32>
    %swap3A = arith.constant 0 : index
    %swap3A_9 = arith.constant 0 : index
    %swap3A_10 = vector.load %arg3[%swap3A, %swap3A_9] : memref<1280x128xf32, #tpu.memory_space<vmem>>, vector<1280x128xf32>
    tpu.vector_store %arg3[%swap3A, %swap3A_9], %mul3A_8 {strides = array<i32>} : memref<1280x128xf32, #tpu.memory_space<vmem>>, vector<1280x128xf32>,
    return
  }
  func.func @transform_0(%arg0: i32) -> (i32, i32) {
    %c0_i32 = arith.constant 0 : i32
    %c0_i32_0 = arith.constant 0 : i32
    return %c0_i32, %arg0 : i32, i32
  }
  func.func @transform_1(%arg0: i32) -> (i32, i32) {
    %c0_i32 = arith.constant 0 : i32
    %c0_i32_0 = arith.constant 0 : i32
    return %arg0, %c0_i32 : i32, i32
  }
  func.func @transform_2(%arg0: i32) -> (i32, i32) {
    %c0_i32 = arith.constant 0 : i32
    %c0_i32_0 = arith.constant 0 : i32
    return %arg0, %c0_i32 : i32, i32
  }
}

module attributes {stable_mosaic.version = 14 : i64} {
  func.func @_tc2_body(%arg0: i32, %arg1: memref<2x1280x128xf32, #tpu.memory_space<vmem>>, %arg2: memref<1280x128xf32, #tpu.memory_space<vmem>>, %arg3: memref<32x1280xf32, #tpu.memory_space<vmem>>, %arg4: memref<1x128xf32, #tpu.memory_space<vmem>>, %arg5: memref<128x128xf32, #tpu.memory_space<vmem>>, %arg6: memref<1280x128xf32, #tpu.memory_space<vmem>>) attributes {dimension_semantics = [#tpu.dimension_semantics<arbitrary>], iteration_bounds = array<i64: 8>, scalar_prefetch = 0 : i64, scratch_operands = 0 : i64, tpu.core_type = #tpu.core_type<tc>, window_params = [{transform_indices = @transform_0, window_bounds = array<i64: 2, 1280, 128>}, {transform_indices = @transform_1, window_bounds = array<i64: 1280, 128>}, {transform_indices = @transform_2, window_bounds = array<i64: 32, 1280>}, {pipeline_mode = #tpu.pipeline_mode<synchronous>, transform_indices = @transform_3, window_bounds = array<i64: 1, 128>}, {pipeline_mode = #tpu.pipeline_mode<synchronous>, transform_indices = @transform_4, window_bounds = array<i64: 128, 128>}, {transform_indices = @transform_5, window_bounds = array<i64: 1280, 128>}]} {
    %get3A = arith.constant 0 : index
    %get3A_0 = arith.constant 0 : index
    %get3A_1 = vector.load %arg3[%get3A, %get3A_0] : memref<32x1280xf32, #tpu.memory_space<vmem>>, vector<32x1280xf32>
    %reduce_sum3A = arith.constant dense<0.000000e+00> : vector<1280xf32>
    %reduce_sum3A_2 = vector.multi_reduction <add>, %get3A_1, %reduce_sum3A [0] : vector<32x1280xf32> to vector<1280xf32>
    %broadcast_in_dim3A = vector.shape_cast %reduce_sum3A_2 : vector<1280xf32> to vector<1280x1xf32>
    %add3A = arith.constant 1.000000e+00 : f32
    %add3A_3 = vector.broadcast %add3A : f32 to vector<1280x1xf32>
    %add3A_4 = arith.addf %broadcast_in_dim3A, %add3A_3 : vector<1280x1xf32>
    %rsqrt3A = math.rsqrt %add3A_4 : vector<1280x1xf32>
    %get3A_5 = arith.constant 0 : index
    %get3A_6 = arith.constant 0 : index
    %get3A_7 = arith.constant 0 : index
    %get3A_8 = vector.load %arg1[%get3A_5, %get3A_6, %get3A_7] : memref<2x1280x128xf32, #tpu.memory_space<vmem>>, vector<1x1280x128xf32>
    %get3A_9 = vector.shape_cast %get3A_8 : vector<1x1280x128xf32> to vector<1280x128xf32>
    %get3A_10 = arith.constant 1 : index
    %get3A_11 = arith.constant 0 : index
    %get3A_12 = arith.constant 0 : index
    %get3A_13 = vector.load %arg1[%get3A_10, %get3A_11, %get3A_12] : memref<2x1280x128xf32, #tpu.memory_space<vmem>>, vector<1x1280x128xf32>
    %get3A_14 = vector.shape_cast %get3A_13 : vector<1x1280x128xf32> to vector<1280x128xf32>
    %add3A_15 = arith.addf %get3A_9, %get3A_14 : vector<1280x128xf32>
    %get3A_16 = arith.constant 0 : index
    %get3A_17 = arith.constant 0 : index
    %get3A_18 = vector.load %arg2[%get3A_16, %get3A_17] : memref<1280x128xf32, #tpu.memory_space<vmem>>, vector<1280x128xf32>
    %add3A_19 = arith.addf %add3A_15, %get3A_18 : vector<1280x128xf32>
    %mul3A = vector.broadcast %rsqrt3A : vector<1280x1xf32> to vector<1280x128xf32>
    %mul3A_20 = arith.mulf %add3A_19, %mul3A : vector<1280x128xf32>
    %get3A_21 = arith.constant 0 : index
    %get3A_22 = arith.constant 0 : index
    %get3A_23 = vector.load %arg4[%get3A_21, %get3A_22] : memref<1x128xf32, #tpu.memory_space<vmem>>, vector<1x128xf32>
    %add3A_24 = vector.broadcast %get3A_23 : vector<1x128xf32> to vector<1280x128xf32>
    %add3A_25 = arith.addf %mul3A_20, %add3A_24 : vector<1280x128xf32>
    %max3A = arith.constant 0.000000e+00 : f32
    %max3A_26 = vector.broadcast %max3A : f32 to vector<1280x128xf32>
    %max3A_27 = arith.maximumf %add3A_25, %max3A_26 : vector<1280x128xf32>
    %get3A_28 = arith.constant 0 : index
    %get3A_29 = arith.constant 0 : index
    %get3A_30 = vector.load %arg5[%get3A_28, %get3A_29] : memref<128x128xf32, #tpu.memory_space<vmem>>, vector<128x128xf32>
    %dot_general3A = arith.constant dense<0.000000e+00> : vector<1280x128xf32>
    %dot_general3A_31 = tpu.matmul %max3A_27, %get3A_30, %dot_general3A {dimension_numbers = #tpu.dot_dimension_numbers<[1], [0], [0], [1], [0, 0, 1, 1], [], []>, transpose_lhs_hint = false} : vector<1280x128xf32>, vector<128x128xf32>, vector<1280x128xf32> -> vector<1280x128xf32>
    %mul3A_32 = vector.broadcast %rsqrt3A : vector<1280x1xf32> to vector<1280x128xf32>
    %mul3A_33 = arith.mulf %dot_general3A_31, %mul3A_32 : vector<1280x128xf32>
    %swap3A = arith.constant 0 : index
    %swap3A_34 = arith.constant 0 : index
    %swap3A_35 = vector.load %arg6[%swap3A, %swap3A_34] : memref<1280x128xf32, #tpu.memory_space<vmem>>, vector<1280x128xf32>
    tpu.vector_store %arg6[%swap3A, %swap3A_34], %mul3A_33 {strides = array<i32>} : memref<1280x128xf32, #tpu.memory_space<vmem>>, vector<1280x128xf32>,
    return
  }
  func.func @transform_0(%arg0: i32) -> (i32, i32, i32) {
    %c0_i32 = arith.constant 0 : i32
    %c0_i32_0 = arith.constant 0 : i32
    %c0_i32_1 = arith.constant 0 : i32
    return %c0_i32, %arg0, %c0_i32_0 : i32, i32, i32
  }
  func.func @transform_1(%arg0: i32) -> (i32, i32) {
    %c0_i32 = arith.constant 0 : i32
    %c0_i32_0 = arith.constant 0 : i32
    return %arg0, %c0_i32 : i32, i32
  }
  func.func @transform_2(%arg0: i32) -> (i32, i32) {
    %c0_i32 = arith.constant 0 : i32
    %c0_i32_0 = arith.constant 0 : i32
    return %c0_i32, %arg0 : i32, i32
  }
  func.func @transform_3(%arg0: i32) -> (i32, i32) {
    %c0_i32 = arith.constant 0 : i32
    %c0_i32_0 = arith.constant 0 : i32
    %c0_i32_1 = arith.constant 0 : i32
    return %c0_i32, %c0_i32_0 : i32, i32
  }
  func.func @transform_4(%arg0: i32) -> (i32, i32) {
    %c0_i32 = arith.constant 0 : i32
    %c0_i32_0 = arith.constant 0 : i32
    %c0_i32_1 = arith.constant 0 : i32
    return %c0_i32, %c0_i32_0 : i32, i32
  }
  func.func @transform_5(%arg0: i32) -> (i32, i32) {
    %c0_i32 = arith.constant 0 : i32
    %c0_i32_0 = arith.constant 0 : i32
    return %arg0, %c0_i32 : i32, i32
  }
}

module attributes {stable_mosaic.version = 14 : i64} {
  func.func @_tc3_body(%arg0: i32, %arg1: memref<2x1280x128xf32, #tpu.memory_space<vmem>>, %arg2: memref<1280x128xf32, #tpu.memory_space<vmem>>, %arg3: memref<32x1280xf32, #tpu.memory_space<vmem>>, %arg4: memref<1x128xf32, #tpu.memory_space<vmem>>, %arg5: memref<1280x128xf32, #tpu.memory_space<vmem>>) attributes {dimension_semantics = [#tpu.dimension_semantics<arbitrary>], iteration_bounds = array<i64: 8>, scalar_prefetch = 0 : i64, scratch_operands = 0 : i64, tpu.core_type = #tpu.core_type<tc>, window_params = [{transform_indices = @transform_0, window_bounds = array<i64: 2, 1280, 128>}, {transform_indices = @transform_1, window_bounds = array<i64: 1280, 128>}, {transform_indices = @transform_2, window_bounds = array<i64: 32, 1280>}, {pipeline_mode = #tpu.pipeline_mode<synchronous>, transform_indices = @transform_3, window_bounds = array<i64: 1, 128>}, {transform_indices = @transform_4, window_bounds = array<i64: 1280, 128>}]} {
    %get3A = arith.constant 0 : index
    %get3A_0 = arith.constant 0 : index
    %get3A_1 = vector.load %arg3[%get3A, %get3A_0] : memref<32x1280xf32, #tpu.memory_space<vmem>>, vector<32x1280xf32>
    %reduce_sum3A = arith.constant dense<0.000000e+00> : vector<1280xf32>
    %reduce_sum3A_2 = vector.multi_reduction <add>, %get3A_1, %reduce_sum3A [0] : vector<32x1280xf32> to vector<1280xf32>
    %broadcast_in_dim3A = vector.shape_cast %reduce_sum3A_2 : vector<1280xf32> to vector<1280x1xf32>
    %add3A = arith.constant 1.000000e+00 : f32
    %add3A_3 = vector.broadcast %add3A : f32 to vector<1280x1xf32>
    %add3A_4 = arith.addf %broadcast_in_dim3A, %add3A_3 : vector<1280x1xf32>
    %rsqrt3A = math.rsqrt %add3A_4 : vector<1280x1xf32>
    %get3A_5 = arith.constant 0 : index
    %get3A_6 = arith.constant 0 : index
    %get3A_7 = arith.constant 0 : index
    %get3A_8 = vector.load %arg1[%get3A_5, %get3A_6, %get3A_7] : memref<2x1280x128xf32, #tpu.memory_space<vmem>>, vector<1x1280x128xf32>
    %get3A_9 = vector.shape_cast %get3A_8 : vector<1x1280x128xf32> to vector<1280x128xf32>
    %get3A_10 = arith.constant 1 : index
    %get3A_11 = arith.constant 0 : index
    %get3A_12 = arith.constant 0 : index
    %get3A_13 = vector.load %arg1[%get3A_10, %get3A_11, %get3A_12] : memref<2x1280x128xf32, #tpu.memory_space<vmem>>, vector<1x1280x128xf32>
    %get3A_14 = vector.shape_cast %get3A_13 : vector<1x1280x128xf32> to vector<1280x128xf32>
    %add3A_15 = arith.addf %get3A_9, %get3A_14 : vector<1280x128xf32>
    %get3A_16 = arith.constant 0 : index
    %get3A_17 = arith.constant 0 : index
    %get3A_18 = vector.load %arg2[%get3A_16, %get3A_17] : memref<1280x128xf32, #tpu.memory_space<vmem>>, vector<1280x128xf32>
    %add3A_19 = arith.addf %add3A_15, %get3A_18 : vector<1280x128xf32>
    %mul3A = vector.broadcast %rsqrt3A : vector<1280x1xf32> to vector<1280x128xf32>
    %mul3A_20 = arith.mulf %add3A_19, %mul3A : vector<1280x128xf32>
    %get3A_21 = arith.constant 0 : index
    %get3A_22 = arith.constant 0 : index
    %get3A_23 = vector.load %arg4[%get3A_21, %get3A_22] : memref<1x128xf32, #tpu.memory_space<vmem>>, vector<1x128xf32>
    %add3A_24 = vector.broadcast %get3A_23 : vector<1x128xf32> to vector<1280x128xf32>
    %add3A_25 = arith.addf %mul3A_20, %add3A_24 : vector<1280x128xf32>
    %swap3A = arith.constant 0 : index
    %swap3A_26 = arith.constant 0 : index
    %swap3A_27 = vector.load %arg5[%swap3A, %swap3A_26] : memref<1280x128xf32, #tpu.memory_space<vmem>>, vector<1280x128xf32>
    tpu.vector_store %arg5[%swap3A, %swap3A_26], %add3A_25 {strides = array<i32>} : memref<1280x128xf32, #tpu.memory_space<vmem>>, vector<1280x128xf32>,
    return
  }
  func.func @transform_0(%arg0: i32) -> (i32, i32, i32) {
    %c0_i32 = arith.constant 0 : i32
    %c0_i32_0 = arith.constant 0 : i32
    %c0_i32_1 = arith.constant 0 : i32
    return %c0_i32, %arg0, %c0_i32_0 : i32, i32, i32
  }
  func.func @transform_1(%arg0: i32) -> (i32, i32) {
    %c0_i32 = arith.constant 0 : i32
    %c0_i32_0 = arith.constant 0 : i32
    return %arg0, %c0_i32 : i32, i32
  }
  func.func @transform_2(%arg0: i32) -> (i32, i32) {
    %c0_i32 = arith.constant 0 : i32
    %c0_i32_0 = arith.constant 0 : i32
    return %c0_i32, %arg0 : i32, i32
  }
  func.func @transform_3(%arg0: i32) -> (i32, i32) {
    %c0_i32 = arith.constant 0 : i32
    %c0_i32_0 = arith.constant 0 : i32
    %c0_i32_1 = arith.constant 0 : i32
    return %c0_i32, %c0_i32_0 : i32, i32
  }
  func.func @transform_4(%arg0: i32) -> (i32, i32) {
    %c0_i32 = arith.constant 0 : i32
    %c0_i32_0 = arith.constant 0 : i32
    return %arg0, %c0_i32 : i32, i32
  }
}

</mosaic_0001>

<sc_bundles>
// kernel: kernel.12.cloned.1.call-start
scs
__scs_entry_jumppad:
0x0: {  	(pc) =	sbr.rel $0x88, $3  }
0x1: {  	(tag) =	ssettag $0x0;
	lr =	simm.s32 $0x1  }
0x2: {  	[smem:$0x3F9B] =	sst lr;
	_ =	strace $0xD0000000  }
0x3: {  	_ = 	snop  }
0x4: {  	_ = 	snop  }
0x5: {  	_ = 	snop  }
0x6: {  	_ = 	snop  }
0x7: {  	_ = 	snop  }
__scs_overlays_trampoline_lowered:
0x8: {  	[smem:$0x3FAA] =	sst s0  }
0x9: {  	[smem:$0x3FAB] =	sst s1  }
0xa: {  	[smem:$0x3FAC] =	sst s2  }
0xb: {  	[smem:$0x3FAD] =	sst s3  }
0xc: {  	[smem:$0x3FAE] =	sst s4  }
0xd: {  	[smem:$0x3FAF] =	sst s5  }
0xe: {  	[smem:$0x3FB0] =	sst s6  }
0xf: {  	[smem:$0x3FB1] =	sst s7  }
0x10: {  	[smem:$0x3FB2] =	sst s8  }
0x11: {  	[smem:$0x3FB3] =	sst s9;
	s0 =	simm.s32 @!p0 $0x0  }
0x12: {  	s1 =	sld [smem:$0x3F99];
	s0 =	simm.s32 @p0 $0x1  }
0x13: {  	[smem:$0x3FB4] =	sst s0;
	s0 =	simm.s32 @!p1 $0x0  }
0x14: {  	s2 =	sld [smem:$0x3F98];
	s0 =	simm.s32 @p1 $0x1  }
0x15: {  	[smem:$0x3FB5] =	sst s0;
	s0 =	simm.s32 @!p2 $0x0  }
0x16: {  	s3 =	sld [smem:$0x3FDB];
	s0 =	simm.s32 @p2 $0x1  }
0x17: {  	s4 =	simm.s32 $0x1BF5;
	[smem:$0x3FB7] =	sst s0  }
0x18: {  	s0 =	sld [smem:$0x3F9A];
	_ =	swait.ge [sflag:s4], $0x0  }
0x19: {  	s7 =	sld [smem:$0x3F9B]  }
0x1a: {  	s8 =	sadd.s32 $0xFFFFE003, lr  }
0x1b: {  	s9 =	sadd.s32 $0xFFFFFEF7, lr;
	s5 =	simm.s32 $0xFFFFFFFF;
	p2 =	slt.u32 s8, $0xFFFFF086  }
0x1c: {  	p1 =	slt.u32 s9, $0xF7A;
	s5 =	simm.s32 @!p2 $0x0  }
0x1d: {  	s5 =	simm.s32 @p1 $0x1;
	p0 =	seq.s32 s7, s2  }
0x1e: {  	s7 =	smul.u32 @!p0 $0xF7A, s2;
	p2 =	seq.s32 @!p0 s5, $0x0  }
0x1f: {  	s9 =	smul.u32 $0xF7A, s1;
	s8 =	simm.s32 @!p0 $0x1BF5;
	p2 =	por !p2, p0  }
0x20: {  	[sflag:s8] =	ssyncset.s32 @!p0 $0xFFFFF086;
	s6 =	sadd.s32 @!p0 s3, s7;
	s7 =	simm.s32 @!p0 $0x108  }
0x21: {  	s3 =	sadd.s32 s3, s9;
	s6 =	sadd.s32 @!p0 $0x88, s6;
	s7 =	simm.s32 @p2 $0x1082  }
0x22: {  	[simem:s7], [sflag:s8] =	dma.local @!p0 [hbm:s6], $0xF7A  }
0x23: {  	s9 =	sor.u32 $0xD0000000, s2;
	s6 =	simm.s32 $0x108;
	_ =	swait.ge @!p0 [sflag:s8], $0x0  }
0x24: {  	s3 =	sadd.s32 $0x88, s3;
	s6 =	simm.s32 @!p1 $0x1082;
	[sflag:s4] =	ssyncset.s32 $0xFFFFF086  }
0x25: {  	[simem:s6], [sflag:s4] =	dma.local [hbm:s3], $0xF7A  }
0x26: {  	[smem:$0x3F9B] =	sst s1;
	(tag) =	ssettag s2;
	_ =	strace s9  }
0x27: {  	s1 =	sld [smem:$0x3FAB]  }
0x28: {  	s2 =	sld [smem:$0x3FAC]  }
0x29: {  	s4 =	sld [smem:$0x3FAE]  }
0x2a: {  	p0 =	seq.s32 s5, $0x0;
	s5 =	sld [smem:$0x3FAF]  }
0x2b: {  	s6 =	sld [smem:$0x3FB0]  }
0x2c: {  	s7 =	sld [smem:$0x3FB1]  }
0x2d: {  	s3 =	simm.s32 $0x108;
	s8 =	sld [smem:$0x3FB2]  }
0x2e: {  	s3 =	simm.s32 @!p0 $0x1082;
	s9 =	sld [smem:$0x3FB3]  }
0x2f: {  	lr =	sadd.s32 s0, s3;
	s0 =	sld [smem:$0x3FAA]  }
0x30: {  	s3 =	sld [smem:$0x3FAD]  }
0x31: {  	[smem:$0x3FB6] =	sst s10  }
0x32: {  	s10 =	sld [smem:$0x3FB4];
	_ =	sdelay $0x3  }
0x33: {  	p0 =	seq.s32 s10, $0x1;
	s10 =	sld [smem:$0x3FB6];
	_ =	sdelay $0x3  }
0x34: {  	[smem:$0x3FB6] =	sst s10  }
0x35: {  	s10 =	sld [smem:$0x3FB5];
	_ =	sdelay $0x3  }
0x36: {  	p1 =	seq.s32 s10, $0x1;
	s10 =	sld [smem:$0x3FB6];
	_ =	sdelay $0x3  }
0x37: {  	[smem:$0x3FB6] =	sst s10  }
0x38: {  	s10 =	sld [smem:$0x3FB7]  }
0x39: {  	_ = 	snop;
	(pc) =	sbr.ind lr, $3  }
0x3a: {  	_ = 	snop  }
0x3b: {  	_ = 	snop  }
0x3c: {  	p2 =	seq.s32 s10, $0x1;
	s10 =	sld [smem:$0x3FB6]  }
0x3d: {  	_ =	shalt  }
0x3e: {  	_ =	shalt  }
0x3f: {  	_ =	shalt  }
0x40: {  	_ =	shalt  }
0x41: {  	_ =	shalt  }
0x42: {  	_ =	shalt  }
0x43: {  	_ =	shalt  }
0x44: {  	_ =	shalt  }
0x45: {  	_ =	shalt  }
0x46: {  	_ =	shalt  }
0x47: {  	_ =	shalt  }
0x48: {  	_ =	shalt  }
0x49: {  	_ =	shalt  }
0x4a: {  	_ =	shalt  }
0x4b: {  	_ =	shalt  }
0x4c: {  	_ =	shalt  }
0x4d: {  	_ =	shalt  }
0x4e: {  	_ =	shalt  }
0x4f: {  	_ =	shalt  }
0x50: {  	_ =	shalt  }
0x51: {  	_ =	shalt  }
0x52: {  	_ =	shalt  }
0x53: {  	_ =	shalt  }
0x54: {  	_ =	shalt  }
0x55: {  	_ =	shalt  }
0x56: {  	_ =	shalt  }
0x57: {  	_ =	shalt  }
0x58: {  	_ =	shalt  }
0x59: {  	_ =	shalt  }
0x5a: {  	_ =	shalt  }
0x5b: {  	_ =	shalt  }
0x5c: {  	_ =	shalt  }
0x5d: {  	_ =	shalt  }
0x5e: {  	_ =	shalt  }
0x5f: {  	_ =	shalt  }
0x60: {  	_ =	shalt  }
0x61: {  	_ =	shalt  }
0x62: {  	_ =	shalt  }
0x63: {  	_ =	shalt  }
0x64: {  	_ =	shalt  }
0x65: {  	_ =	shalt  }
0x66: {  	_ =	shalt  }
0x67: {  	_ =	shalt  }
0x68: {  	_ =	shalt  }
0x69: {  	_ =	shalt  }
0x6a: {  	_ =	shalt  }
0x6b: {  	_ =	shalt  }
0x6c: {  	_ =	shalt  }
0x6d: {  	_ =	shalt  }
0x6e: {  	_ =	shalt  }
0x6f: {  	_ =	shalt  }
0x70: {  	_ =	shalt  }
0x71: {  	_ =	shalt  }
0x72: {  	_ =	shalt  }
0x73: {  	_ =	shalt  }
0x74: {  	_ =	shalt  }
0x75: {  	_ =	shalt  }
0x76: {  	_ =	shalt  }
0x77: {  	_ =	shalt  }
0x78: {  	_ =	shalt  }
0x79: {  	_ =	shalt  }
0x7a: {  	_ =	shalt  }
0x7b: {  	_ =	shalt  }
0x7c: {  	_ =	shalt  }
0x7d: {  	_ =	shalt  }
0x7e: {  	_ =	shalt  }
0x7f: {  	_ =	shalt  }
0x80: {  	_ =	shalt  }
0x81: {  	_ =	shalt  }
0x82: {  	_ =	shalt  }
0x83: {  	_ =	shalt  }
0x84: {  	_ =	shalt  }
0x85: {  	_ =	shalt  }
0x86: {  	_ =	shalt  }
0x87: {  	_ =	shalt  }
.Lfunc_end0:
.L_simem_size_0:
called_computation.1_lowered:
.L_overlay_start_0:
0x88: {  	s2 =	sld [smem:$0x3FD9]  }
0x89: {  	s3 =	sld [smem:$0x3FFE];
	_ =	sdelay $0x1  }
0x8a: {  	s1 =	srdreg.scid  }
0x8b: {  	s0 =	sand.u32 $0x1, s1  }
0x8c: {  	s17 =	sshll.u32 s0, $0xA;
	s2 =	sadd.s32 s3, s2  }
0x8d: {  	s2 =	sadd.s32 s2, s17  }
0x8e: {  	[smem:$0x3FC2] =	sst s2  }
0x8f: {  	_ = 	snop  }
0x90: {  	s2 =	sld [smem:$0x3FD0];
	(tm) =	ssettm $0x1  }
0x91: {  	s18 =	sld [smem:$0x3FFB];
	_ =	sdelay $0x3  }
0x92: {  	_ =	strace s18  }
0x93: {  	s3 =	sld [smem:$0x3FFC];
	_ =	sdelay $0x3  }
0x94: {  	_ =	strace s3  }
0x95: {  	s3 =	sld [smem:$0x3FFD];
	_ =	sdelay $0x3  }
0x96: {  	_ =	strace s3  }
0x97: {  	_ =	strace $0x8FFFFFFF  }
0x98: {  	s19 =	sld [smem:$0x3FDB];
	_ =	sdelay $0x1  }
0x99: {  	s4 =	simm.s32 $_scs_section_size  }
0x9a: {  	s5 =	simm.s32 $_size__tile_overlayer_lowered;
	s6 =	simm.s32 $_tile_overlayer_lowered  }
0x9b: {  	s22 =	simm.s32 $0x1BFF;
	s21 =	sshll.u32 s6, $0x1;
	s3 =	sadd.s32 s4, s19  }
0x9c: {  	s7 =	simm.s32 $0x0;
	s20 =	sshll.u32 s5, $0x1;
	s5 =	sadd.s32 s21, s3  }
0x9d: {  	[timem:s7], [sflag:s22] =	dma.local [hbm:s5], s20  }
0x9e: {  	_ =	swait.ge [sflag:s22], s20  }
0x9f: {  	s4 =	ssub.s32 $0x0, s20;
	[sflag:s22] =	ssyncset.done $0x0  }
0xa0: {  	[sflag:s22] =	ssyncadd.s32 s4;
	_ =	sdelay $0x1  }
0xa1: {  	s23 =	simm.s32 $0x1B8B  }
0xa2: {  	_ =	swait.ge [sflag:s23], $0x1  }
0xa3: {  	[sflag:s23] =	ssyncset.done $0x0  }
0xa4: {  	s25 =	simm.s32 $0x1B8E;
	s24 =	sld [smem:$0x3FFE];
	[sflag:s23] =	ssyncadd.s32 $0xFFFFFFFF  }
0xa5: {  	s26 =	simm.s32 $execute0_lowered;
	[smem:$0x3FD2] =	sst s25  }
0xa6: {  	s5 =	sshll.u32 s26, $0x1;
	_ =	strace $0x80000049;
	[dreg:$0x1] =	wrdreg $0xFFFFFFFF  }
0xa7: {  	s28 =	simm.s32 $_size_execute0_lowered;
	s3 =	sadd.s32 s3, s5;
	[dreg:$0x0] =	wrdreg $0x0  }
0xa8: {  	s5 =	sshll.u32 s28, $0x1;
	[dreg:$0x2] =	wrdreg s3  }
0xa9: {  	[dreg:$0x3] =	wrdreg s5  }
0xaa: {  	[dreg:$0x4] =	wrdreg $0xC0  }
0xab: {  	_ =	task [dreg:s7], $0x5FFFF  }
0xac: {  	[dreg:$0x1] =	wrdreg $0xFFFFFFFF  }
0xad: {  	[dreg:$0x0] =	wrdreg $0x60  }
0xae: {  	[dreg:$0x2] =	wrdreg s2  }
0xaf: {  	[dreg:$0x3] =	wrdreg s24  }
0xb0: {  	[dreg:$0x4] =	wrdreg $0x0  }
0xb1: {  	[dreg:$0x5] =	wrdreg $0x9  }
0xb2: {  	_ =	task.clear_ibuf [dreg:s7], $0x6FFFF;
	_ =	strace $0x90000049  }
0xb3: {  	s29 =	simm.s32 $0x9;
	_ =	strace $0x8000004B  }
0xb4: {  	_ =	swait.ge [sflag:s29], $0x1  }
0xb5: {  	[sflag:s29] =	ssyncadd.s32 $0xFFFFFFFF  }
0xb6: {  	_ =	strace $0x9000004B  }
0xb7: {  	_ =	sfence  }
0xb8: {  	s30 =	sld [smem:$0x0];
	_ =	sdelay $0x2  }
0xb9: {  	s31 =	sshll.u32 s1, $0xD;
	s1 =	sshrl.u32 s1, $0x2  }
0xba: {  	s3 =	sand.u32 $0x4000, s31;
	s1 =	sadd.s32 s1, s30  }
0xbb: {  	s0 =	sor.u32 s3, s0;
	s1 =	sshll.u32 s1, $0x11  }
0xbc: {  	s0 =	sor.u32 s1, s0  }
0xbd: {  	s0 =	sadd.s32 $0x8F2B, s0  }
0xbe: {  	[sflag:s0] =	ssyncadd.remote.s32 $0x1  }
0xbf: {  	_ =	sfence.sel $0xFFFF  }
0xc0: {  	[dreg:$0x0] =	wrdreg $0xFFFFFFFF;
	(pc) =	sbr.abs _section_cstart, $3  }
0xc1: {  	[dreg:$0x1] =	wrdreg $0xFFFFFFFF  }
0xc2: {  	_ =	task.clear_ibuf [dreg:s7], $0x2FFFF;
	_ =	strace $0x9FFFFFFF  }
0xc3: {  	(tm) =	ssettm $0x7FFFFFFF  }
tec
execute0_lowered:
.L_overlay_start_1:
0x0: {  	(tag) =	ssettag $0x1  }
0x1: {  	s1 =	rddreg [dreg:$0x0]  }
0x2: {  	s5 =	rddreg [dreg:$0x1]  }
0x3: {  	s3 =	rddreg [dreg:$0x2]  }
0x4: {  	s0 =	rddreg [dreg:$0x3]  }
0x5: {  	s4 =	simm.s32 $0x0;
	s2 =	stileid.u32;
	s6 =	srdreg.scid  }
0x6: {  	s13 =	simm.s32 $0x0;
	[smem:$0x7FF] =	sst s4;
	s7 =	smul.u32 $0x13C00, s2  }
0x7: {  	s6 =	sand.u32 $0x1, s6;
	s8 =	sshll.u32 s2, $0xC;
	s11 =	smul.u32 $0x4F000, s2  }
0x8: {  	s29 =	sshll.u32 s2, $0x6;
	_ =	strace $0x8000004A;
	s9 =	smul.u32 $0x13C000, s6  }
0x9: {  	s8 =	sadd.s32 s8, s5;
	s28 =	ssub.s32 $0x2, s6;
	s30 =	sshll.u32 s6, $0xB  }
0xa: {  	s6 =	sor.u32 $0x1C05, s29;
	s10 =	sshrl.u32 s7, $0x3;
	s12 =	sshrl.u32 s28, $0x1  }
0xb: {  	s11 =	sshrl.u32 s11, $0x2;
	s31 =	sadd.s32 s30, s8;
	s10 =	sadd.s32 s10, s5  }
0xc: {  	s7 =	sadd.s32 s7, s9;
	s9 =	ssub.s32 s28, s12;
	s11 =	sadd.s32 s11, s3  }
0xd: {  	s12 =	simm.s32 $0x5;
	s7 =	sshrl.u32 s7, $0x3;
	s8 =	smax.u32 s9, $0x1  }
0xe: {  	s9 =	sadd.s32 $0x61200, s31;
	s11 =	sshrl.u32 s11, $0x3;
	s7 =	sadd.s32 s7, s5  }
0xf: {  	s5 =	sadd.s32 $0x2200, s10;
	s10 =	sadd.s32 $0x51200, s31;
	s7 =	sadd.s32 $0x71200, s7  }
.LBB2_1:
0x10: {  	[spmem:s11], [sflag:s6] =	dma.local [hbm:s5], $0x2780  }
0x11: {  	_ =	swait.ge [sflag:s12], $0x2780  }
0x12: {  	s14 =	simm.s32 $0xFFFFFC00;
	[sflag:s12] =	ssyncset.done $0x0  }
0x13: {  	s15 =	simm.s32 $0x0;
	s16 =	smov.u32 s10;
	[sflag:s12] =	ssyncadd.s32 $0xFFFFD880  }
0x14: {  	s17 =	smov.u32 s9;
	s18 =	simm.s32 $0x0;
	[bflag:$0x0] =	sbarrier.arrive $0xFFFF  }
.LBB2_2:
0x15: {  	p0 =	slt.u32 s18, $0x3  }
0x16: {  	s19 =	simm.s32 @!p0 $0x4  }
0x17: {  	p1 =	sgt.u32 @!p0 s18, $0x7C;
	_ =	swait.ge @!p0 [sflag:s19], $0x2800  }
0x18: {  	p1 =	por p0, !p1;
	[sflag:s19] =	ssyncset.done @!p0 $0x0  }
0x19: {  	[sflag:s19] =	ssyncadd.s32 @!p0 $0xFFFFD800;
	s19 =	sand.u32 @p1 $0x180, s15  }
0x1a: {  	s20 =	sor.u32 @p1 $0x13C00, s19  }
0x1b: {  	[tilespmem:s20], [sflag:$0x1] =	stream.linear.gather @p1 [hbm4b:s17+s4], $0x80, $0x38;
	[tilespmem:$0x19000] =	vst v63  }
0x1c: {  	s19 =	sor.u32 @p1 $0x13E00, s19  }
0x1d: {  	[tilespmem:s19], [sflag:$0x1] =	stream.linear.gather @p1 [hbm4b:s16+s4], $0x80, $0x38;
	[tilespmem:$0x19000] =	vst v63  }
0x1e: {  	s19 =	sadd.s32 $0xFFFFFFFF, s18  }
0x1f: {  	p0 =	sgt.u32 s19, $0x7C  }
0x20: {  	s20 =	simm.s32 @!p0 $0x1  }
0x21: {  	_ =	swait.ge @!p0 [sflag:s20], $0x80  }
0x22: {  	[sflag:s20] =	ssyncset.done @!p0 $0x0  }
0x23: {  	s31 =	sadd.s32 $0xFFFFFFFE, s18;
	s19 =	sand.u32 @!p0 $0x1, s19;
	[sflag:s20] =	ssyncadd.s32 @!p0 $0xFFFFFF80  }
0x24: {  	s21 =	sadd.s32 @!p0 $0x200, s14;
	s22 =	smul.u32 @!p0 $0xA000, s19;
	_ =	swait.ge @!p0 [sflag:s20], $0x80  }
0x25: {  	s21 =	sand.u32 @!p0 $0x600, s21;
	s19 =	sor.u32 @!p0 $0x2, s19;
	[sflag:s20] =	ssyncset.done @!p0 $0x0  }
0x26: {  	s21 =	sshrl.u32 @!p0 s21, $0x2;
	[sflag:s20] =	ssyncadd.s32 @!p0 $0xFFFFFF80;
	s20 =	sshrl.u32 @!p0 s22, $0x2  }
0x27: {  	s21 =	sor.u32 @!p0 $0x13C00, s21;
	s22 =	simm.s32 @!p0 $0x50;
	s20 =	sor.u32 @!p0 $0x14000, s20  }
0x28: {  	[tilespmem:s20], [sflag:s19] =	stream.indirect.gather @!p0 [hbm4b:s1+s22], $0x80, s21, s22, $0xb8;
	[tilespmem:$0x19000] =	vst v63  }
0x29: {  	p0 =	sgt.u32 s31, $0x7C  }
0x2a: {  	s19 =	sand.u32 @!p0 $0x1, s18  }
0x2b: {  	s20 =	smul.u32 @!p0 $0xA000, s19  }
0x2c: {  	s21 =	sand.u32 @!p0 $0x600, s14;
	s19 =	sor.u32 @!p0 $0x2, s19  }
0x2d: {  	s18 =	sadd.s32 $0x1, s18;
	_ =	swait.ge @!p0 [sflag:s19], $0x2800;
	s20 =	sshrl.u32 @!p0 s20, $0x2  }
0x2e: {  	s21 =	sshrl.u32 @!p0 s21, $0x2;
	[sflag:s19] =	ssyncset.done @!p0 $0x0;
	s20 =	sor.u32 @!p0 $0x14000, s20  }
0x2f: {  	[sflag:s19] =	ssyncadd.s32 @!p0 $0xFFFFD800;
	s19 =	sor.u32 @!p0 $0x13E00, s21;
	s21 =	simm.s32 @!p0 $0x50  }
0x30: {  	[spmem:s3] =	stream.indirect.scatter.add.f32 @!p0 [tilespmem:s20], [sflag:$0x4], $0x80, s19, s21, $0xb8;
	[tilespmem:$0x19000] =	vst v63  }
0x31: {  	p0 =	sne.s32 s18, $0x80  }
.Ltmp0:
0x32: {  	_ = 	snop;
	(pc) =	sbr.rel @p0 .LBB2_2-.Ltmp0, $3  }
0x33: {  	_ =	sdelay $0x1  }
0x34: {  	s15 =	sadd.s32 $0x80, s15  }
0x35: {  	s17 =	sadd.s32 $0x10, s17;
	s16 =	sadd.s32 $0x10, s16;
	s14 =	sadd.s32 $0x200, s14  }
0x36: {  	s13 =	sadd.s32 $0x1, s13  }
0x37: {  	p0 =	sne.s32 s13, s8  }
.Ltmp1:
0x38: {  	[bflag:$0x0] =	sbarrier.arrive $0xFFFF;
	(pc) =	sbr.rel @p0 .LBB2_1-.Ltmp1, $4  }
0x39: {  	[hbm:s7], [sflag:s6] =	dma.local [spmem:s11], $0x2780  }
0x3a: {  	_ =	swait.ge [sflag:s12], $0x2780  }
0x3b: {  	[sflag:s12] =	ssyncset.done $0x0  }
0x3c: {  	[sflag:s12] =	ssyncadd.s32 $0xFFFFD880  }
0x3d: {  	_ =	sfence.sel $0x180000  }
0x3e: {  	[bflag:$0x0] =	sbarrier.arrive $0xFFFF  }
0x3f: {  	p0 =	sne.s32 s2, $0x0;
	_ =	strace $0x9000004A  }
0x40: {  	s0 =	sadd.s32 @!p0 $0x100000, s0;
	[bflag:$0x2] =	sbarrier.arrive $0xFFFF  }
0x41: {  	[sflag:s0] =	ssyncadd.tile.s32 @!p0 $0x1;
	_ =	shalt  }
.Lfunc_end2:
_tile_overlayer_lowered:
.L_overlay_start_2:
0x42: {  	(tag) =	ssettag $0x2  }
0x43: {  	s0 =	rddreg [dreg:$0x0];
	s2 =	stileid.u32  }
0x44: {  	s1 =	rddreg [dreg:$0x1];
	p0 =	sne.s32 s2, $0x0  }
0x45: {  	s3 =	rddreg [dreg:$0x2];
	[bflag:$0x3] =	sbarrier.arrive $0xFFFF;
	s2 =	simm.s32 @!p0 $0x1C05  }
0x46: {  	[timem:s3], [sflag:s2] =	dma.local @!p0 [hbm:s0], s1  }
0x47: {  	s0 =	simm.s32 @!p0 $0x5  }
0x48: {  	_ =	swait.ge @!p0 [sflag:s0], s1  }
0x49: {  	s1 =	ssub.s32 @!p0 $0x0, s1;
	[sflag:s0] =	ssyncset.done @!p0 $0x0  }
0x4a: {  	[sflag:s0] =	ssyncadd.s32 @!p0 s1  }
0x4b: {  	[bflag:$0x3] =	sbarrier.arrive $0xFFFF  }
0x4c: {  	_ =	shalt  }

// kernel: kernel.15.cloned.1.call-start
scs
__scs_entry_jumppad:
0x0: {  	(pc) =	sbr.rel $0x88, $3  }
0x1: {  	(tag) =	ssettag $0x0;
	lr =	simm.s32 $0x1  }
0x2: {  	[smem:$0x3F9B] =	sst lr;
	_ =	strace $0xD0000000  }
0x3: {  	_ = 	snop  }
0x4: {  	_ = 	snop  }
0x5: {  	_ = 	snop  }
0x6: {  	_ = 	snop  }
0x7: {  	_ = 	snop  }
__scs_overlays_trampoline_lowered:
0x8: {  	[smem:$0x3FAA] =	sst s0  }
0x9: {  	[smem:$0x3FAB] =	sst s1  }
0xa: {  	[smem:$0x3FAC] =	sst s2  }
0xb: {  	[smem:$0x3FAD] =	sst s3  }
0xc: {  	[smem:$0x3FAE] =	sst s4  }
0xd: {  	[smem:$0x3FAF] =	sst s5  }
0xe: {  	[smem:$0x3FB0] =	sst s6  }
0xf: {  	[smem:$0x3FB1] =	sst s7  }
0x10: {  	[smem:$0x3FB2] =	sst s8  }
0x11: {  	[smem:$0x3FB3] =	sst s9;
	s0 =	simm.s32 @!p0 $0x0  }
0x12: {  	s1 =	sld [smem:$0x3F99];
	s0 =	simm.s32 @p0 $0x1  }
0x13: {  	[smem:$0x3FB4] =	sst s0;
	s0 =	simm.s32 @!p1 $0x0  }
0x14: {  	s2 =	sld [smem:$0x3F98];
	s0 =	simm.s32 @p1 $0x1  }
0x15: {  	[smem:$0x3FB5] =	sst s0;
	s0 =	simm.s32 @!p2 $0x0  }
0x16: {  	s3 =	sld [smem:$0x3FDB];
	s0 =	simm.s32 @p2 $0x1  }
0x17: {  	s4 =	simm.s32 $0x1BF5;
	[smem:$0x3FB7] =	sst s0  }
0x18: {  	s0 =	sld [smem:$0x3F9A];
	_ =	swait.ge [sflag:s4], $0x0  }
0x19: {  	s7 =	sld [smem:$0x3F9B]  }
0x1a: {  	s8 =	sadd.s32 $0xFFFFE003, lr  }
0x1b: {  	s9 =	sadd.s32 $0xFFFFFEF7, lr;
	s5 =	simm.s32 $0xFFFFFFFF;
	p2 =	slt.u32 s8, $0xFFFFF086  }
0x1c: {  	p1 =	slt.u32 s9, $0xF7A;
	s5 =	simm.s32 @!p2 $0x0  }
0x1d: {  	s5 =	simm.s32 @p1 $0x1;
	p0 =	seq.s32 s7, s2  }
0x1e: {  	s7 =	smul.u32 @!p0 $0xF7A, s2;
	p2 =	seq.s32 @!p0 s5, $0x0  }
0x1f: {  	s9 =	smul.u32 $0xF7A, s1;
	s8 =	simm.s32 @!p0 $0x1BF5;
	p2 =	por !p2, p0  }
0x20: {  	[sflag:s8] =	ssyncset.s32 @!p0 $0xFFFFF086;
	s6 =	sadd.s32 @!p0 s3, s7;
	s7 =	simm.s32 @!p0 $0x108  }
0x21: {  	s3 =	sadd.s32 s3, s9;
	s6 =	sadd.s32 @!p0 $0x88, s6;
	s7 =	simm.s32 @p2 $0x1082  }
0x22: {  	[simem:s7], [sflag:s8] =	dma.local @!p0 [hbm:s6], $0xF7A  }
0x23: {  	s9 =	sor.u32 $0xD0000000, s2;
	s6 =	simm.s32 $0x108;
	_ =	swait.ge @!p0 [sflag:s8], $0x0  }
0x24: {  	s3 =	sadd.s32 $0x88, s3;
	s6 =	simm.s32 @!p1 $0x1082;
	[sflag:s4] =	ssyncset.s32 $0xFFFFF086  }
0x25: {  	[simem:s6], [sflag:s4] =	dma.local [hbm:s3], $0xF7A  }
0x26: {  	[smem:$0x3F9B] =	sst s1;
	(tag) =	ssettag s2;
	_ =	strace s9  }
0x27: {  	s1 =	sld [smem:$0x3FAB]  }
0x28: {  	s2 =	sld [smem:$0x3FAC]  }
0x29: {  	s4 =	sld [smem:$0x3FAE]  }
0x2a: {  	p0 =	seq.s32 s5, $0x0;
	s5 =	sld [smem:$0x3FAF]  }
0x2b: {  	s6 =	sld [smem:$0x3FB0]  }
0x2c: {  	s7 =	sld [smem:$0x3FB1]  }
0x2d: {  	s3 =	simm.s32 $0x108;
	s8 =	sld [smem:$0x3FB2]  }
0x2e: {  	s3 =	simm.s32 @!p0 $0x1082;
	s9 =	sld [smem:$0x3FB3]  }
0x2f: {  	lr =	sadd.s32 s0, s3;
	s0 =	sld [smem:$0x3FAA]  }
0x30: {  	s3 =	sld [smem:$0x3FAD]  }
0x31: {  	[smem:$0x3FB6] =	sst s10  }
0x32: {  	s10 =	sld [smem:$0x3FB4];
	_ =	sdelay $0x3  }
0x33: {  	p0 =	seq.s32 s10, $0x1;
	s10 =	sld [smem:$0x3FB6];
	_ =	sdelay $0x3  }
0x34: {  	[smem:$0x3FB6] =	sst s10  }
0x35: {  	s10 =	sld [smem:$0x3FB5];
	_ =	sdelay $0x3  }
0x36: {  	p1 =	seq.s32 s10, $0x1;
	s10 =	sld [smem:$0x3FB6];
	_ =	sdelay $0x3  }
0x37: {  	[smem:$0x3FB6] =	sst s10  }
0x38: {  	s10 =	sld [smem:$0x3FB7]  }
0x39: {  	_ = 	snop;
	(pc) =	sbr.ind lr, $3  }
0x3a: {  	_ = 	snop  }
0x3b: {  	_ = 	snop  }
0x3c: {  	p2 =	seq.s32 s10, $0x1;
	s10 =	sld [smem:$0x3FB6]  }
0x3d: {  	_ =	shalt  }
0x3e: {  	_ =	shalt  }
0x3f: {  	_ =	shalt  }
0x40: {  	_ =	shalt  }
0x41: {  	_ =	shalt  }
0x42: {  	_ =	shalt  }
0x43: {  	_ =	shalt  }
0x44: {  	_ =	shalt  }
0x45: {  	_ =	shalt  }
0x46: {  	_ =	shalt  }
0x47: {  	_ =	shalt  }
0x48: {  	_ =	shalt  }
0x49: {  	_ =	shalt  }
0x4a: {  	_ =	shalt  }
0x4b: {  	_ =	shalt  }
0x4c: {  	_ =	shalt  }
0x4d: {  	_ =	shalt  }
0x4e: {  	_ =	shalt  }
0x4f: {  	_ =	shalt  }
0x50: {  	_ =	shalt  }
0x51: {  	_ =	shalt  }
0x52: {  	_ =	shalt  }
0x53: {  	_ =	shalt  }
0x54: {  	_ =	shalt  }
0x55: {  	_ =	shalt  }
0x56: {  	_ =	shalt  }
0x57: {  	_ =	shalt  }
0x58: {  	_ =	shalt  }
0x59: {  	_ =	shalt  }
0x5a: {  	_ =	shalt  }
0x5b: {  	_ =	shalt  }
0x5c: {  	_ =	shalt  }
0x5d: {  	_ =	shalt  }
0x5e: {  	_ =	shalt  }
0x5f: {  	_ =	shalt  }
0x60: {  	_ =	shalt  }
0x61: {  	_ =	shalt  }
0x62: {  	_ =	shalt  }
0x63: {  	_ =	shalt  }
0x64: {  	_ =	shalt  }
0x65: {  	_ =	shalt  }
0x66: {  	_ =	shalt  }
0x67: {  	_ =	shalt  }
0x68: {  	_ =	shalt  }
0x69: {  	_ =	shalt  }
0x6a: {  	_ =	shalt  }
0x6b: {  	_ =	shalt  }
0x6c: {  	_ =	shalt  }
0x6d: {  	_ =	shalt  }
0x6e: {  	_ =	shalt  }
0x6f: {  	_ =	shalt  }
0x70: {  	_ =	shalt  }
0x71: {  	_ =	shalt  }
0x72: {  	_ =	shalt  }
0x73: {  	_ =	shalt  }
0x74: {  	_ =	shalt  }
0x75: {  	_ =	shalt  }
0x76: {  	_ =	shalt  }
0x77: {  	_ =	shalt  }
0x78: {  	_ =	shalt  }
0x79: {  	_ =	shalt  }
0x7a: {  	_ =	shalt  }
0x7b: {  	_ =	shalt  }
0x7c: {  	_ =	shalt  }
0x7d: {  	_ =	shalt  }
0x7e: {  	_ =	shalt  }
0x7f: {  	_ =	shalt  }
0x80: {  	_ =	shalt  }
0x81: {  	_ =	shalt  }
0x82: {  	_ =	shalt  }
0x83: {  	_ =	shalt  }
0x84: {  	_ =	shalt  }
0x85: {  	_ =	shalt  }
0x86: {  	_ =	shalt  }
0x87: {  	_ =	shalt  }
.Lfunc_end0:
.L_simem_size_0:
called_computation.2_lowered:
.L_overlay_start_0:
0x88: {  	s2 =	sld [smem:$0x3FD9]  }
0x89: {  	s3 =	sld [smem:$0x3FFE];
	_ =	sdelay $0x1  }
0x8a: {  	s1 =	srdreg.scid  }
0x8b: {  	s0 =	sand.u32 $0x1, s1  }
0x8c: {  	s17 =	sshll.u32 s0, $0xA;
	s2 =	sadd.s32 s3, s2  }
0x8d: {  	s2 =	sadd.s32 s2, s17  }
0x8e: {  	[smem:$0x3FC2] =	sst s2  }
0x8f: {  	_ = 	snop  }
0x90: {  	s2 =	sld [smem:$0x3FD0];
	(tm) =	ssettm $0x1  }
0x91: {  	s18 =	sld [smem:$0x3FFB];
	_ =	sdelay $0x3  }
0x92: {  	_ =	strace s18  }
0x93: {  	s3 =	sld [smem:$0x3FFC];
	_ =	sdelay $0x3  }
0x94: {  	_ =	strace s3  }
0x95: {  	s3 =	sld [smem:$0x3FFD];
	_ =	sdelay $0x3  }
0x96: {  	_ =	strace s3  }
0x97: {  	_ =	strace $0x8FFFFFFF  }
0x98: {  	s19 =	sld [smem:$0x3FDB];
	_ =	sdelay $0x1  }
0x99: {  	s4 =	simm.s32 $_scs_section_size  }
0x9a: {  	s5 =	simm.s32 $_size__tile_overlayer_lowered;
	s6 =	simm.s32 $_tile_overlayer_lowered  }
0x9b: {  	s22 =	simm.s32 $0x1BFF;
	s21 =	sshll.u32 s6, $0x1;
	s3 =	sadd.s32 s4, s19  }
0x9c: {  	s7 =	simm.s32 $0x0;
	s20 =	sshll.u32 s5, $0x1;
	s5 =	sadd.s32 s21, s3  }
0x9d: {  	[timem:s7], [sflag:s22] =	dma.local [hbm:s5], s20  }
0x9e: {  	_ =	swait.ge [sflag:s22], s20  }
0x9f: {  	s4 =	ssub.s32 $0x0, s20;
	[sflag:s22] =	ssyncset.done $0x0  }
0xa0: {  	[sflag:s22] =	ssyncadd.s32 s4;
	_ =	sdelay $0x1  }
0xa1: {  	s23 =	simm.s32 $0x1B8B  }
0xa2: {  	_ =	swait.ge [sflag:s23], $0x1  }
0xa3: {  	[sflag:s23] =	ssyncset.done $0x0  }
0xa4: {  	s25 =	simm.s32 $0x1B8E;
	s24 =	sld [smem:$0x3FFE];
	[sflag:s23] =	ssyncadd.s32 $0xFFFFFFFF  }
0xa5: {  	s26 =	simm.s32 $execute0_lowered;
	[smem:$0x3FD2] =	sst s25  }
0xa6: {  	s5 =	sshll.u32 s26, $0x1;
	_ =	strace $0x8000004C;
	[dreg:$0x1] =	wrdreg $0xFFFFFFFF  }
0xa7: {  	s28 =	simm.s32 $_size_execute0_lowered;
	s3 =	sadd.s32 s3, s5;
	[dreg:$0x0] =	wrdreg $0x0  }
0xa8: {  	s5 =	sshll.u32 s28, $0x1;
	[dreg:$0x2] =	wrdreg s3  }
0xa9: {  	[dreg:$0x3] =	wrdreg s5  }
0xaa: {  	[dreg:$0x4] =	wrdreg $0xC0  }
0xab: {  	_ =	task [dreg:s7], $0x5FFFF  }
0xac: {  	[dreg:$0x1] =	wrdreg $0xFFFFFFFF  }
0xad: {  	[dreg:$0x0] =	wrdreg $0x60  }
0xae: {  	[dreg:$0x2] =	wrdreg s2  }
0xaf: {  	[dreg:$0x3] =	wrdreg s24  }
0xb0: {  	[dreg:$0x4] =	wrdreg $0x0  }
0xb1: {  	[dreg:$0x5] =	wrdreg $0x9  }
0xb2: {  	_ =	task.clear_ibuf [dreg:s7], $0x6FFFF;
	_ =	strace $0x9000004C  }
0xb3: {  	s29 =	simm.s32 $0x9;
	_ =	strace $0x8000004E  }
0xb4: {  	_ =	swait.ge [sflag:s29], $0x1  }
0xb5: {  	[sflag:s29] =	ssyncadd.s32 $0xFFFFFFFF  }
0xb6: {  	_ =	strace $0x9000004E  }
0xb7: {  	_ =	sfence  }
0xb8: {  	s30 =	sld [smem:$0x0];
	_ =	sdelay $0x2  }
0xb9: {  	s31 =	sshll.u32 s1, $0xD;
	s1 =	sshrl.u32 s1, $0x2  }
0xba: {  	s3 =	sand.u32 $0x4000, s31;
	s1 =	sadd.s32 s1, s30  }
0xbb: {  	s0 =	sor.u32 s3, s0;
	s1 =	sshll.u32 s1, $0x11  }
0xbc: {  	s0 =	sor.u32 s1, s0  }
0xbd: {  	s0 =	sadd.s32 $0x8F2B, s0  }
0xbe: {  	[sflag:s0] =	ssyncadd.remote.s32 $0x1  }
0xbf: {  	_ =	sfence.sel $0xFFFF  }
0xc0: {  	[dreg:$0x0] =	wrdreg $0xFFFFFFFF;
	(pc) =	sbr.abs _section_cstart, $3  }
0xc1: {  	[dreg:$0x1] =	wrdreg $0xFFFFFFFF  }
0xc2: {  	_ =	task.clear_ibuf [dreg:s7], $0x2FFFF;
	_ =	strace $0x9FFFFFFF  }
0xc3: {  	(tm) =	ssettm $0x7FFFFFFF  }
tec
execute0_lowered:
.L_overlay_start_1:
0x0: {  	(tag) =	ssettag $0x1  }
0x1: {  	s1 =	rddreg [dreg:$0x0]  }
0x2: {  	s5 =	rddreg [dreg:$0x1]  }
0x3: {  	s3 =	rddreg [dreg:$0x2]  }
0x4: {  	s0 =	rddreg [dreg:$0x3]  }
0x5: {  	s4 =	simm.s32 $0x0;
	s2 =	stileid.u32;
	s6 =	srdreg.scid  }
0x6: {  	s13 =	simm.s32 $0x0;
	[smem:$0x7FF] =	sst s4;
	s7 =	smul.u32 $0x13C00, s2  }
0x7: {  	s6 =	sand.u32 $0x1, s6;
	s8 =	sshll.u32 s2, $0xC;
	s11 =	smul.u32 $0x4F000, s2  }
0x8: {  	s29 =	sshll.u32 s2, $0x6;
	_ =	strace $0x8000004D;
	s9 =	smul.u32 $0x13C000, s6  }
0x9: {  	s8 =	sadd.s32 s8, s5;
	s28 =	ssub.s32 $0x2, s6;
	s30 =	sshll.u32 s6, $0xB  }
0xa: {  	s6 =	sor.u32 $0x1C05, s29;
	s10 =	sshrl.u32 s7, $0x3;
	s12 =	sshrl.u32 s28, $0x1  }
0xb: {  	s11 =	sshrl.u32 s11, $0x2;
	s31 =	sadd.s32 s30, s8;
	s10 =	sadd.s32 s10, s5  }
0xc: {  	s7 =	sadd.s32 s7, s9;
	s9 =	ssub.s32 s28, s12;
	s11 =	sadd.s32 s11, s3  }
0xd: {  	s12 =	simm.s32 $0x5;
	s7 =	sshrl.u32 s7, $0x3;
	s8 =	smax.u32 s9, $0x1  }
0xe: {  	s9 =	sadd.s32 $0x61200, s31;
	s11 =	sshrl.u32 s11, $0x3;
	s7 =	sadd.s32 s7, s5  }
0xf: {  	s5 =	sadd.s32 $0x2200, s10;
	s10 =	sadd.s32 $0x51200, s31;
	s7 =	sadd.s32 $0x71200, s7  }
.LBB2_1:
0x10: {  	[spmem:s11], [sflag:s6] =	dma.local [hbm:s5], $0x2780  }
0x11: {  	_ =	swait.ge [sflag:s12], $0x2780  }
0x12: {  	s14 =	simm.s32 $0xFFFFFC00;
	[sflag:s12] =	ssyncset.done $0x0  }
0x13: {  	s15 =	simm.s32 $0x0;
	s16 =	smov.u32 s10;
	[sflag:s12] =	ssyncadd.s32 $0xFFFFD880  }
0x14: {  	s17 =	smov.u32 s9;
	s18 =	simm.s32 $0x0;
	[bflag:$0x0] =	sbarrier.arrive $0xFFFF  }
.LBB2_2:
0x15: {  	p0 =	slt.u32 s18, $0x3  }
0x16: {  	s19 =	simm.s32 @!p0 $0x4  }
0x17: {  	p1 =	sgt.u32 @!p0 s18, $0x7C;
	_ =	swait.ge @!p0 [sflag:s19], $0x2800  }
0x18: {  	p1 =	por p0, !p1;
	[sflag:s19] =	ssyncset.done @!p0 $0x0  }
0x19: {  	[sflag:s19] =	ssyncadd.s32 @!p0 $0xFFFFD800;
	s19 =	sand.u32 @p1 $0x180, s15  }
0x1a: {  	s20 =	sor.u32 @p1 $0x13C00, s19  }
0x1b: {  	[tilespmem:s20], [sflag:$0x1] =	stream.linear.gather @p1 [hbm4b:s17+s4], $0x80, $0x38;
	[tilespmem:$0x19000] =	vst v63  }
0x1c: {  	s19 =	sor.u32 @p1 $0x13E00, s19  }
0x1d: {  	[tilespmem:s19], [sflag:$0x1] =	stream.linear.gather @p1 [hbm4b:s16+s4], $0x80, $0x38;
	[tilespmem:$0x19000] =	vst v63  }
0x1e: {  	s19 =	sadd.s32 $0xFFFFFFFF, s18  }
0x1f: {  	p0 =	sgt.u32 s19, $0x7C  }
0x20: {  	s20 =	simm.s32 @!p0 $0x1  }
0x21: {  	_ =	swait.ge @!p0 [sflag:s20], $0x80  }
0x22: {  	[sflag:s20] =	ssyncset.done @!p0 $0x0  }
0x23: {  	s31 =	sadd.s32 $0xFFFFFFFE, s18;
	s19 =	sand.u32 @!p0 $0x1, s19;
	[sflag:s20] =	ssyncadd.s32 @!p0 $0xFFFFFF80  }
0x24: {  	s21 =	sadd.s32 @!p0 $0x200, s14;
	s22 =	smul.u32 @!p0 $0xA000, s19;
	_ =	swait.ge @!p0 [sflag:s20], $0x80  }
0x25: {  	s21 =	sand.u32 @!p0 $0x600, s21;
	s19 =	sor.u32 @!p0 $0x2, s19;
	[sflag:s20] =	ssyncset.done @!p0 $0x0  }
0x26: {  	s21 =	sshrl.u32 @!p0 s21, $0x2;
	[sflag:s20] =	ssyncadd.s32 @!p0 $0xFFFFFF80;
	s20 =	sshrl.u32 @!p0 s22, $0x2  }
0x27: {  	s21 =	sor.u32 @!p0 $0x13C00, s21;
	s22 =	simm.s32 @!p0 $0x50;
	s20 =	sor.u32 @!p0 $0x14000, s20  }
0x28: {  	[tilespmem:s20], [sflag:s19] =	stream.indirect.gather @!p0 [hbm4b:s1+s22], $0x80, s21, s22, $0xb8;
	[tilespmem:$0x19000] =	vst v63  }
0x29: {  	p0 =	sgt.u32 s31, $0x7C  }
0x2a: {  	s19 =	sand.u32 @!p0 $0x1, s18  }
0x2b: {  	s20 =	smul.u32 @!p0 $0xA000, s19  }
0x2c: {  	s21 =	sand.u32 @!p0 $0x600, s14;
	s19 =	sor.u32 @!p0 $0x2, s19  }
0x2d: {  	s18 =	sadd.s32 $0x1, s18;
	_ =	swait.ge @!p0 [sflag:s19], $0x2800;
	s20 =	sshrl.u32 @!p0 s20, $0x2  }
0x2e: {  	s21 =	sshrl.u32 @!p0 s21, $0x2;
	[sflag:s19] =	ssyncset.done @!p0 $0x0;
	s20 =	sor.u32 @!p0 $0x14000, s20  }
0x2f: {  	[sflag:s19] =	ssyncadd.s32 @!p0 $0xFFFFD800;
	s19 =	sor.u32 @!p0 $0x13E00, s21;
	s21 =	simm.s32 @!p0 $0x50  }
0x30: {  	[spmem:s3] =	stream.indirect.scatter.add.f32 @!p0 [tilespmem:s20], [sflag:$0x4], $0x80, s19, s21, $0xb8;
	[tilespmem:$0x19000] =	vst v63  }
0x31: {  	p0 =	sne.s32 s18, $0x80  }
.Ltmp0:
0x32: {  	_ = 	snop;
	(pc) =	sbr.rel @p0 .LBB2_2-.Ltmp0, $3  }
0x33: {  	_ =	sdelay $0x1  }
0x34: {  	s15 =	sadd.s32 $0x80, s15  }
0x35: {  	s17 =	sadd.s32 $0x10, s17;
	s16 =	sadd.s32 $0x10, s16;
	s14 =	sadd.s32 $0x200, s14  }
0x36: {  	s13 =	sadd.s32 $0x1, s13  }
0x37: {  	p0 =	sne.s32 s13, s8  }
.Ltmp1:
0x38: {  	[bflag:$0x0] =	sbarrier.arrive $0xFFFF;
	(pc) =	sbr.rel @p0 .LBB2_1-.Ltmp1, $4  }
0x39: {  	[hbm:s7], [sflag:s6] =	dma.local [spmem:s11], $0x2780  }
0x3a: {  	_ =	swait.ge [sflag:s12], $0x2780  }
0x3b: {  	[sflag:s12] =	ssyncset.done $0x0  }
0x3c: {  	[sflag:s12] =	ssyncadd.s32 $0xFFFFD880  }
0x3d: {  	_ =	sfence.sel $0x180000  }
0x3e: {  	[bflag:$0x0] =	sbarrier.arrive $0xFFFF  }
0x3f: {  	p0 =	sne.s32 s2, $0x0;
	_ =	strace $0x9000004D  }
0x40: {  	s0 =	sadd.s32 @!p0 $0x100000, s0;
	[bflag:$0x2] =	sbarrier.arrive $0xFFFF  }
0x41: {  	[sflag:s0] =	ssyncadd.tile.s32 @!p0 $0x1;
	_ =	shalt  }
.Lfunc_end2:
_tile_overlayer_lowered:
.L_overlay_start_2:
0x42: {  	(tag) =	ssettag $0x2  }
0x43: {  	s0 =	rddreg [dreg:$0x0];
	s2 =	stileid.u32  }
0x44: {  	s1 =	rddreg [dreg:$0x1];
	p0 =	sne.s32 s2, $0x0  }
0x45: {  	s3 =	rddreg [dreg:$0x2];
	[bflag:$0x3] =	sbarrier.arrive $0xFFFF;
	s2 =	simm.s32 @!p0 $0x1C05  }
0x46: {  	[timem:s3], [sflag:s2] =	dma.local @!p0 [hbm:s0], s1  }
0x47: {  	s0 =	simm.s32 @!p0 $0x5  }
0x48: {  	_ =	swait.ge @!p0 [sflag:s0], s1  }
0x49: {  	s1 =	ssub.s32 @!p0 $0x0, s1;
	[sflag:s0] =	ssyncset.done @!p0 $0x0  }
0x4a: {  	[sflag:s0] =	ssyncadd.s32 @!p0 s1  }
0x4b: {  	[bflag:$0x3] =	sbarrier.arrive $0xFFFF  }
0x4c: {  	_ =	shalt  }

// kernel: kernel.9.cloned.1.call-start
scs
__scs_entry_jumppad:
0x0: {  	(pc) =	sbr.rel $0x88, $3  }
0x1: {  	(tag) =	ssettag $0x0;
	lr =	simm.s32 $0x1  }
0x2: {  	[smem:$0x3F9B] =	sst lr;
	_ =	strace $0xD0000000  }
0x3: {  	_ = 	snop  }
0x4: {  	_ = 	snop  }
0x5: {  	_ = 	snop  }
0x6: {  	_ = 	snop  }
0x7: {  	_ = 	snop  }
__scs_overlays_trampoline_lowered:
0x8: {  	[smem:$0x3FAA] =	sst s0  }
0x9: {  	[smem:$0x3FAB] =	sst s1  }
0xa: {  	[smem:$0x3FAC] =	sst s2  }
0xb: {  	[smem:$0x3FAD] =	sst s3  }
0xc: {  	[smem:$0x3FAE] =	sst s4  }
0xd: {  	[smem:$0x3FAF] =	sst s5  }
0xe: {  	[smem:$0x3FB0] =	sst s6  }
0xf: {  	[smem:$0x3FB1] =	sst s7  }
0x10: {  	[smem:$0x3FB2] =	sst s8  }
0x11: {  	[smem:$0x3FB3] =	sst s9;
	s0 =	simm.s32 @!p0 $0x0  }
0x12: {  	s1 =	sld [smem:$0x3F99];
	s0 =	simm.s32 @p0 $0x1  }
0x13: {  	[smem:$0x3FB4] =	sst s0;
	s0 =	simm.s32 @!p1 $0x0  }
0x14: {  	s2 =	sld [smem:$0x3F98];
	s0 =	simm.s32 @p1 $0x1  }
0x15: {  	[smem:$0x3FB5] =	sst s0;
	s0 =	simm.s32 @!p2 $0x0  }
0x16: {  	s3 =	sld [smem:$0x3FDB];
	s0 =	simm.s32 @p2 $0x1  }
0x17: {  	s4 =	simm.s32 $0x1BF5;
	[smem:$0x3FB7] =	sst s0  }
0x18: {  	s0 =	sld [smem:$0x3F9A];
	_ =	swait.ge [sflag:s4], $0x0  }
0x19: {  	s7 =	sld [smem:$0x3F9B]  }
0x1a: {  	s8 =	sadd.s32 $0xFFFFE003, lr  }
0x1b: {  	s9 =	sadd.s32 $0xFFFFFEF7, lr;
	s5 =	simm.s32 $0xFFFFFFFF;
	p2 =	slt.u32 s8, $0xFFFFF086  }
0x1c: {  	p1 =	slt.u32 s9, $0xF7A;
	s5 =	simm.s32 @!p2 $0x0  }
0x1d: {  	s5 =	simm.s32 @p1 $0x1;
	p0 =	seq.s32 s7, s2  }
0x1e: {  	s7 =	smul.u32 @!p0 $0xF7A, s2;
	p2 =	seq.s32 @!p0 s5, $0x0  }
0x1f: {  	s9 =	smul.u32 $0xF7A, s1;
	s8 =	simm.s32 @!p0 $0x1BF5;
	p2 =	por !p2, p0  }
0x20: {  	[sflag:s8] =	ssyncset.s32 @!p0 $0xFFFFF086;
	s6 =	sadd.s32 @!p0 s3, s7;
	s7 =	simm.s32 @!p0 $0x108  }
0x21: {  	s3 =	sadd.s32 s3, s9;
	s6 =	sadd.s32 @!p0 $0x88, s6;
	s7 =	simm.s32 @p2 $0x1082  }
0x22: {  	[simem:s7], [sflag:s8] =	dma.local @!p0 [hbm:s6], $0xF7A  }
0x23: {  	s9 =	sor.u32 $0xD0000000, s2;
	s6 =	simm.s32 $0x108;
	_ =	swait.ge @!p0 [sflag:s8], $0x0  }
0x24: {  	s3 =	sadd.s32 $0x88, s3;
	s6 =	simm.s32 @!p1 $0x1082;
	[sflag:s4] =	ssyncset.s32 $0xFFFFF086  }
0x25: {  	[simem:s6], [sflag:s4] =	dma.local [hbm:s3], $0xF7A  }
0x26: {  	[smem:$0x3F9B] =	sst s1;
	(tag) =	ssettag s2;
	_ =	strace s9  }
0x27: {  	s1 =	sld [smem:$0x3FAB]  }
0x28: {  	s2 =	sld [smem:$0x3FAC]  }
0x29: {  	s4 =	sld [smem:$0x3FAE]  }
0x2a: {  	p0 =	seq.s32 s5, $0x0;
	s5 =	sld [smem:$0x3FAF]  }
0x2b: {  	s6 =	sld [smem:$0x3FB0]  }
0x2c: {  	s7 =	sld [smem:$0x3FB1]  }
0x2d: {  	s3 =	simm.s32 $0x108;
	s8 =	sld [smem:$0x3FB2]  }
0x2e: {  	s3 =	simm.s32 @!p0 $0x1082;
	s9 =	sld [smem:$0x3FB3]  }
0x2f: {  	lr =	sadd.s32 s0, s3;
	s0 =	sld [smem:$0x3FAA]  }
0x30: {  	s3 =	sld [smem:$0x3FAD]  }
0x31: {  	[smem:$0x3FB6] =	sst s10  }
0x32: {  	s10 =	sld [smem:$0x3FB4];
	_ =	sdelay $0x3  }
0x33: {  	p0 =	seq.s32 s10, $0x1;
	s10 =	sld [smem:$0x3FB6];
	_ =	sdelay $0x3  }
0x34: {  	[smem:$0x3FB6] =	sst s10  }
0x35: {  	s10 =	sld [smem:$0x3FB5];
	_ =	sdelay $0x3  }
0x36: {  	p1 =	seq.s32 s10, $0x1;
	s10 =	sld [smem:$0x3FB6];
	_ =	sdelay $0x3  }
0x37: {  	[smem:$0x3FB6] =	sst s10  }
0x38: {  	s10 =	sld [smem:$0x3FB7]  }
0x39: {  	_ = 	snop;
	(pc) =	sbr.ind lr, $3  }
0x3a: {  	_ = 	snop  }
0x3b: {  	_ = 	snop  }
0x3c: {  	p2 =	seq.s32 s10, $0x1;
	s10 =	sld [smem:$0x3FB6]  }
0x3d: {  	_ =	shalt  }
0x3e: {  	_ =	shalt  }
0x3f: {  	_ =	shalt  }
0x40: {  	_ =	shalt  }
0x41: {  	_ =	shalt  }
0x42: {  	_ =	shalt  }
0x43: {  	_ =	shalt  }
0x44: {  	_ =	shalt  }
0x45: {  	_ =	shalt  }
0x46: {  	_ =	shalt  }
0x47: {  	_ =	shalt  }
0x48: {  	_ =	shalt  }
0x49: {  	_ =	shalt  }
0x4a: {  	_ =	shalt  }
0x4b: {  	_ =	shalt  }
0x4c: {  	_ =	shalt  }
0x4d: {  	_ =	shalt  }
0x4e: {  	_ =	shalt  }
0x4f: {  	_ =	shalt  }
0x50: {  	_ =	shalt  }
0x51: {  	_ =	shalt  }
0x52: {  	_ =	shalt  }
0x53: {  	_ =	shalt  }
0x54: {  	_ =	shalt  }
0x55: {  	_ =	shalt  }
0x56: {  	_ =	shalt  }
0x57: {  	_ =	shalt  }
0x58: {  	_ =	shalt  }
0x59: {  	_ =	shalt  }
0x5a: {  	_ =	shalt  }
0x5b: {  	_ =	shalt  }
0x5c: {  	_ =	shalt  }
0x5d: {  	_ =	shalt  }
0x5e: {  	_ =	shalt  }
0x5f: {  	_ =	shalt  }
0x60: {  	_ =	shalt  }
0x61: {  	_ =	shalt  }
0x62: {  	_ =	shalt  }
0x63: {  	_ =	shalt  }
0x64: {  	_ =	shalt  }
0x65: {  	_ =	shalt  }
0x66: {  	_ =	shalt  }
0x67: {  	_ =	shalt  }
0x68: {  	_ =	shalt  }
0x69: {  	_ =	shalt  }
0x6a: {  	_ =	shalt  }
0x6b: {  	_ =	shalt  }
0x6c: {  	_ =	shalt  }
0x6d: {  	_ =	shalt  }
0x6e: {  	_ =	shalt  }
0x6f: {  	_ =	shalt  }
0x70: {  	_ =	shalt  }
0x71: {  	_ =	shalt  }
0x72: {  	_ =	shalt  }
0x73: {  	_ =	shalt  }
0x74: {  	_ =	shalt  }
0x75: {  	_ =	shalt  }
0x76: {  	_ =	shalt  }
0x77: {  	_ =	shalt  }
0x78: {  	_ =	shalt  }
0x79: {  	_ =	shalt  }
0x7a: {  	_ =	shalt  }
0x7b: {  	_ =	shalt  }
0x7c: {  	_ =	shalt  }
0x7d: {  	_ =	shalt  }
0x7e: {  	_ =	shalt  }
0x7f: {  	_ =	shalt  }
0x80: {  	_ =	shalt  }
0x81: {  	_ =	shalt  }
0x82: {  	_ =	shalt  }
0x83: {  	_ =	shalt  }
0x84: {  	_ =	shalt  }
0x85: {  	_ =	shalt  }
0x86: {  	_ =	shalt  }
0x87: {  	_ =	shalt  }
.Lfunc_end0:
.L_simem_size_0:
called_computation_lowered:
.L_overlay_start_0:
0x88: {  	s2 =	sld [smem:$0x3FD9]  }
0x89: {  	s3 =	sld [smem:$0x3FFE];
	_ =	sdelay $0x1  }
0x8a: {  	s1 =	srdreg.scid  }
0x8b: {  	s0 =	sand.u32 $0x1, s1  }
0x8c: {  	s17 =	sshll.u32 s0, $0xA;
	s2 =	sadd.s32 s3, s2  }
0x8d: {  	s2 =	sadd.s32 s2, s17  }
0x8e: {  	[smem:$0x3FC2] =	sst s2  }
0x8f: {  	_ = 	snop  }
0x90: {  	s2 =	sld [smem:$0x3FD0];
	(tm) =	ssettm $0x1  }
0x91: {  	s18 =	sld [smem:$0x3FFB];
	_ =	sdelay $0x3  }
0x92: {  	_ =	strace s18  }
0x93: {  	s3 =	sld [smem:$0x3FFC];
	_ =	sdelay $0x3  }
0x94: {  	_ =	strace s3  }
0x95: {  	s3 =	sld [smem:$0x3FFD];
	_ =	sdelay $0x3  }
0x96: {  	_ =	strace s3  }
0x97: {  	_ =	strace $0x8FFFFFFF  }
0x98: {  	s19 =	sld [smem:$0x3FDB];
	_ =	sdelay $0x1  }
0x99: {  	s4 =	simm.s32 $_scs_section_size  }
0x9a: {  	s5 =	simm.s32 $_size__tile_overlayer_lowered;
	s6 =	simm.s32 $_tile_overlayer_lowered  }
0x9b: {  	s22 =	simm.s32 $0x1BFF;
	s21 =	sshll.u32 s6, $0x1;
	s3 =	sadd.s32 s4, s19  }
0x9c: {  	s7 =	simm.s32 $0x0;
	s20 =	sshll.u32 s5, $0x1;
	s5 =	sadd.s32 s21, s3  }
0x9d: {  	[timem:s7], [sflag:s22] =	dma.local [hbm:s5], s20  }
0x9e: {  	_ =	swait.ge [sflag:s22], s20  }
0x9f: {  	s4 =	ssub.s32 $0x0, s20;
	[sflag:s22] =	ssyncset.done $0x0  }
0xa0: {  	[sflag:s22] =	ssyncadd.s32 s4;
	_ =	sdelay $0x1  }
0xa1: {  	s23 =	simm.s32 $0x1B8B  }
0xa2: {  	_ =	swait.ge [sflag:s23], $0x1  }
0xa3: {  	[sflag:s23] =	ssyncset.done $0x0  }
0xa4: {  	s25 =	simm.s32 $0x1B8E;
	s24 =	sld [smem:$0x3FFE];
	[sflag:s23] =	ssyncadd.s32 $0xFFFFFFFF  }
0xa5: {  	s26 =	simm.s32 $execute0_lowered;
	[smem:$0x3FD2] =	sst s25  }
0xa6: {  	s5 =	sshll.u32 s26, $0x1;
	_ =	strace $0x80000046;
	[dreg:$0x1] =	wrdreg $0xFFFFFFFF  }
0xa7: {  	s28 =	simm.s32 $_size_execute0_lowered;
	s3 =	sadd.s32 s3, s5;
	[dreg:$0x0] =	wrdreg $0x0  }
0xa8: {  	s5 =	sshll.u32 s28, $0x1;
	[dreg:$0x2] =	wrdreg s3  }
0xa9: {  	[dreg:$0x3] =	wrdreg s5  }
0xaa: {  	[dreg:$0x4] =	wrdreg $0xC0  }
0xab: {  	_ =	task [dreg:s7], $0x5FFFF  }
0xac: {  	[dreg:$0x1] =	wrdreg $0xFFFFFFFF  }
0xad: {  	[dreg:$0x0] =	wrdreg $0x60  }
0xae: {  	[dreg:$0x2] =	wrdreg s24  }
0xaf: {  	[dreg:$0x3] =	wrdreg s2  }
0xb0: {  	[dreg:$0x4] =	wrdreg $0x9  }
0xb1: {  	_ =	task.clear_ibuf [dreg:s7], $0x5FFFF;
	_ =	strace $0x90000046  }
0xb2: {  	s29 =	simm.s32 $0x9;
	_ =	strace $0x80000048  }
0xb3: {  	_ =	swait.ge [sflag:s29], $0x1  }
0xb4: {  	[sflag:s29] =	ssyncadd.s32 $0xFFFFFFFF  }
0xb5: {  	_ =	strace $0x90000048  }
0xb6: {  	_ =	sfence  }
0xb7: {  	s30 =	sld [smem:$0x0];
	_ =	sdelay $0x2  }
0xb8: {  	s31 =	sshll.u32 s1, $0xD;
	s1 =	sshrl.u32 s1, $0x2  }
0xb9: {  	s3 =	sand.u32 $0x4000, s31;
	s1 =	sadd.s32 s1, s30  }
0xba: {  	s0 =	sor.u32 s3, s0;
	s1 =	sshll.u32 s1, $0x11  }
0xbb: {  	s0 =	sor.u32 s1, s0  }
0xbc: {  	s0 =	sadd.s32 $0x8F2B, s0  }
0xbd: {  	[sflag:s0] =	ssyncadd.remote.s32 $0x1  }
0xbe: {  	_ =	sfence.sel $0xFFFF  }
0xbf: {  	[dreg:$0x0] =	wrdreg $0xFFFFFFFF;
	(pc) =	sbr.abs _section_cstart, $3  }
0xc0: {  	[dreg:$0x1] =	wrdreg $0xFFFFFFFF  }
0xc1: {  	_ =	task.clear_ibuf [dreg:s7], $0x2FFFF;
	_ =	strace $0x9FFFFFFF  }
0xc2: {  	(tm) =	ssettm $0x7FFFFFFF  }
0xc3: {  	_ =	shalt  }
tec
execute0_lowered:
.L_overlay_start_1:
0x0: {  	(tag) =	ssettag $0x1  }
0x1: {  	s3 =	rddreg [dreg:$0x0]  }
0x2: {  	s1 =	srdreg.scid;
	s0 =	stileid.u32  }
0x3: {  	s4 =	rddreg [dreg:$0x1];
	s9 =	simm.s32 $0x400;
	s10 =	simm.s32 $0x0  }
0x4: {  	s5 =	sand.u32 $0x1, s1;
	s2 =	sshll.u32 s0, $0x1;
	s1 =	rddreg [dreg:$0x2]  }
0x5: {  	s7 =	sshrl.u32 s0, $0x2;
	s6 =	sor.u32 s5, s2;
	s2 =	simm.s32 $0x0  }
0x6: {  	s7 =	smul.u32 $0x14000, s7;
	s5 =	ssub.s32 $0x2, s5;
	s8 =	sshll.u32 s6, $0x7  }
0x7: {  	[smem:$0x7FF] =	sst s2;
	s6 =	smul.u32 $0x2780, s6;
	s31 =	sshrl.u32 s5, $0x1  }
0x8: {  	s8 =	sand.u32 $0x380, s8;
	_ =	strace $0x80000047;
	s5 =	ssub.s32 s5, s31  }
0x9: {  	s7 =	sor.u32 s7, s8;
	s3 =	sadd.s32 s6, s3;
	s5 =	smax.u32 s5, $0x1  }
0xa: {  	s6 =	simm.s32 $0x2800;
	s8 =	simm.s32 $0x80;
	s7 =	sshrl.u32 s7, $0x3  }
0xb: {  	v0 =	vimm.f32 $0.0e+00;
	s3 =	sadd.s32 $0x2200, s3;
	s4 =	sadd.s32 s4, s7;
	s7 =	simm.s32 $0x1  }
.LBB2_1:
0xc: {  	[tilespmem:s6], [sflag:$0x1] =	stream.linear.gather [hbm4b:s3+s2], $0x13880, $0x38;
	[tilespmem:$0x16400] =	vst v63  }
0xd: {  	_ =	swait.ge [sflag:s7], $0x13880  }
0xe: {  	[sflag:s7] =	ssyncset.done $0x0  }
0xf: {  	s11 =	simm.s32 $0x0;
	[sflag:s7] =	ssyncadd.s32 $0xFFFEC780  }
.LBB2_2:
0x10: {  	p0 =	sne.s32 s11, $0x9FC0  }
.Ltmp0:
0x11: {  	_ = 	snop;
	(pc) =	sbr.rel @p0 .LBB2_2-.Ltmp0, $3  }
0x12: {  	_ =	sdelay $0x1  }
0x13: {  	s12 =	sshra.s32 s11, $0x2  }
0x14: {  	s11 =	sadd.s32 $0x40, s11;
	[tilespmem:s12+$0x0] =	vst v0  }
0x15: {  	s12 =	simm.s32 $0x0;
	s11 =	simm.s32 $0x200  }
.LBB2_4:
0x16: {  	p0 =	sne.s32 s11, $0x4E000;
	v1 =	vld [tilespmem:s12+$0x2800];
	_ =	sdelay $0x4  }
0x17: {  	(xrf1) =	vunique.msk.u32 $0xffff, v1;
	_ =	sdelay $0xd  }
0x18: {  	_, v2, vm0 =	vpop (xrf1);
	_ =	sdelay $0x1  }
.Ltmp1:
0x19: {  	(pc) =	sbr.rel @p0 .LBB2_4-.Ltmp1, $3  }
0x1a: {  	_ = 	snop  }
0x1b: {  	v2 =	vcvt.s32.f32 v2;
	_ =	sdelay $0x1  }
0x1c: {  	s12 =	sshra.s32 s11, $0x2;
	s11 =	sadd.s32 $0x200, s11;
	[tilespmem:v1+s2+$0x0] =	vst.idx.add.f32.msk vm0, v2  }
0x1d: {  	v1 =	vld [tilespmem:s12+$0x2800];
	_ =	sdelay $0x4  }
0x1e: {  	(xrf1) =	vunique.msk.u32 $0xffff, v1;
	_ =	sdelay $0xd  }
0x1f: {  	_, v2, vm0 =	vpop (xrf1);
	_ =	sdelay $0x3  }
0x20: {  	s10 =	sadd.s32 $0x1, s10;
	v2 =	vcvt.s32.f32 v2  }
0x21: {  	p0 =	sne.s32 s10, s5  }
.Ltmp2:
0x22: {  	[tilespmem:v1+s2+$0x0] =	vst.idx.add.f32.msk vm0, v2;
	(pc) =	sbr.rel @p0 .LBB2_1-.Ltmp2, $4  }
0x23: {  	[hbm4b:s4+s8] =	stream.strided.scatter [tilespmem:s2], [sflag:$0x1], $0x2800, s9, s8, $0x38;
	[tilespmem:$0x16400] =	vst v63  }
0x24: {  	_ =	swait.ge [sflag:s7], $0x2800  }
0x25: {  	[sflag:s7] =	ssyncset.done $0x0  }
0x26: {  	[sflag:s7] =	ssyncadd.s32 $0xFFFFD800  }
0x27: {  	_ =	sfence.sel $0x180000  }
0x28: {  	[bflag:$0x0] =	sbarrier.arrive $0xFFFF  }
0x29: {  	p0 =	sne.s32 s0, $0x0;
	_ =	strace $0x90000047  }
0x2a: {  	s0 =	sadd.s32 @!p0 $0x100000, s1;
	[bflag:$0x2] =	sbarrier.arrive $0xFFFF  }
0x2b: {  	[sflag:s0] =	ssyncadd.tile.s32 @!p0 $0x1;
	_ =	shalt  }
.Lfunc_end2:
_tile_overlayer_lowered:
.L_overlay_start_2:
0x2c: {  	(tag) =	ssettag $0x2  }
0x2d: {  	s0 =	rddreg [dreg:$0x0];
	s2 =	stileid.u32  }
0x2e: {  	s1 =	rddreg [dreg:$0x1];
	p0 =	sne.s32 s2, $0x0  }
0x2f: {  	s3 =	rddreg [dreg:$0x2];
	[bflag:$0x3] =	sbarrier.arrive $0xFFFF;
	s2 =	simm.s32 @!p0 $0x1C01  }
0x30: {  	[timem:s3], [sflag:s2] =	dma.local @!p0 [hbm:s0], s1  }
0x31: {  	s0 =	simm.s32 @!p0 $0x1  }
0x32: {  	_ =	swait.ge @!p0 [sflag:s0], s1  }
0x33: {  	s1 =	ssub.s32 @!p0 $0x0, s1;
	[sflag:s0] =	ssyncset.done @!p0 $0x0  }
0x34: {  	[sflag:s0] =	ssyncadd.s32 @!p0 s1  }
0x35: {  	[bflag:$0x3] =	sbarrier.arrive $0xFFFF  }
0x36: {  	_ =	shalt  }

</sc_bundles>
